<compile_context>
chip_gen: v7x
topology: tpu7x:2x2x1
jax: 0.10.2.dev20260603
libtpu: 0.0.44.dev20260713+nightly
codegen_flags: <defaults>
</compile_context>

<pallas_src>
import functools

import jax
import jax.numpy as jnp
from jax import lax
from jax.experimental import pallas as pl
from jax.experimental.pallas import tpu as pltpu
from jax.experimental.pallas import tpu_sc as plsc

NC = 2
NS = 16
L = 16
NW = NC * NS
B = 16384
D = 128
BPW = B // NW
C = 64
NCH = BPW // C
NSL = D // L
NBUF = 4


def _start_chunk(ent_hbm, rel_hbm, hi_v, ri_v, ti_v, h_rows, r_rows, t_rows,
                 sems, j, b):
    sl = pl.ds(j * C, C)
    pltpu.async_copy(ent_hbm.at[hi_v.at[sl]], h_rows.at[b], sems.at[b, 0])
    pltpu.async_copy(rel_hbm.at[ri_v.at[sl]], r_rows.at[b], sems.at[b, 1])
    pltpu.async_copy(ent_hbm.at[ti_v.at[sl]], t_rows.at[b], sems.at[b, 2])


def _wait_chunk(ent_hbm, rel_hbm, hi_v, ri_v, ti_v, h_rows, r_rows, t_rows,
                sems, j, b):
    sl = pl.ds(j * C, C)
    pltpu.make_async_copy(ent_hbm.at[hi_v.at[sl]], h_rows.at[b],
                          sems.at[b, 0]).wait()
    pltpu.make_async_copy(rel_hbm.at[ri_v.at[sl]], r_rows.at[b],
                          sems.at[b, 1]).wait()
    pltpu.make_async_copy(ent_hbm.at[ti_v.at[sl]], t_rows.at[b],
                          sems.at[b, 2]).wait()


def _body(heads_hbm, rels_hbm, tails_hbm, ent_hbm, rel_hbm, out_hbm,
          hi_v, ri_v, ti_v, h_rows, r_rows, t_rows, part_v, out_v, sems):
    wid = lax.axis_index("s") * NC + lax.axis_index("c")
    base = wid * BPW

    ci = pltpu.async_copy(heads_hbm.at[pl.ds(base, BPW)], hi_v, sems.at[0, 0])
    cr = pltpu.async_copy(rels_hbm.at[pl.ds(base, BPW)], ri_v, sems.at[0, 1])
    ct = pltpu.async_copy(tails_hbm.at[pl.ds(base, BPW)], ti_v, sems.at[0, 2])
    ci.wait()
    cr.wait()
    ct.wait()

    lane = lax.iota(jnp.int32, L)
    lane_l = lane * L

    args = (ent_hbm, rel_hbm, hi_v, ri_v, ti_v, h_rows, r_rows, t_rows, sems)
    for b in range(NBUF):
        _start_chunk(*args, b, b)

    def compute_chunk(j, b):
        hb, rb, tb, pv = h_rows.at[b], r_rows.at[b], t_rows.at[b], part_v

        def row_body(r, carry):
            ps = [hb[r, pl.ds(k * L, L)] * rb[r, pl.ds(k * L, L)]
                  * tb[r, pl.ds(k * L, L)] for k in range(NSL)]
            while len(ps) > 1:
                ps = [ps[i] + ps[i + 1] for i in range(0, len(ps), 2)]
            pv[pl.ds(r * L, L)] = ps[0]
            return carry

        lax.fori_loop(0, C, row_body, 0, unroll=4)

        def group_body(g, carry):
            idx0 = g * (L * L) + lane_l
            acc = plsc.load_gather(part_v, [idx0])
            for k in range(1, L):
                acc += plsc.load_gather(part_v, [idx0 + k])
            out_v[pl.ds(j * C + g * L, L)] = acc
            return carry

        lax.fori_loop(0, C // L, group_body, 0)

    def outer_body(j, carry):
        b = lax.rem(j, NBUF)
        _wait_chunk(*args, j, b)
        compute_chunk(j, b)

        @pl.when(j < NCH - NBUF)
        def _():
            _start_chunk(*args, j + NBUF, b)
        return carry

    lax.fori_loop(0, NCH, outer_body, 0)

    pltpu.sync_copy(out_v, out_hbm.at[pl.ds(base, BPW)])


@jax.jit
def kernel(heads, relations, tails, entity_emb, relation_emb):
    f = pl.kernel(
        _body,
        out_type=jax.ShapeDtypeStruct((B,), jnp.float32),
        mesh=plsc.VectorSubcoreMesh(core_axis_name="c", subcore_axis_name="s",
                                    num_cores=NC, num_subcores=NS),
        compiler_params=pltpu.CompilerParams(needs_layout_passes=False),
        scratch_types=[
            pltpu.VMEM((BPW,), jnp.int32),
            pltpu.VMEM((BPW,), jnp.int32),
            pltpu.VMEM((BPW,), jnp.int32),
            pltpu.VMEM((NBUF, C, D), jnp.float32),
            pltpu.VMEM((NBUF, C, D), jnp.float32),
            pltpu.VMEM((NBUF, C, D), jnp.float32),
            pltpu.VMEM((C * L,), jnp.float32),
            pltpu.VMEM((BPW,), jnp.float32),
            pltpu.SemaphoreType.DMA((NBUF, 3)),
        ],
    )
    out = f(heads.astype(jnp.int32), relations.astype(jnp.int32),
            tails.astype(jnp.int32), entity_emb, relation_emb)
    return out.reshape(B, 1)

# --- scband reference (transcript-rebuilt; emitter-appended) ---
"""Pipeline reference for scband-dist-mult-23158463660527 (READ-ONLY COPY).

The authoritative reference and input builder live on the scoring server;
editing this copy changes nothing except your own understanding.
"""

import jax, jax.numpy as jnp
import numpy as np

NUM_ENTITIES = 1000000
NUM_RELATIONS = 1000
EMBED_DIM = 128
BATCH = 16384

def setup_inputs(seed: int = 0) -> dict:
    key = jax.random.key(seed)
    k1, k2, k3, k4, k5 = jax.random.split(key, 5)
    heads = jax.random.randint(k1, (BATCH,), 0, NUM_ENTITIES, dtype=jnp.int64 if jax.config.jax_enable_x64 else jnp.int32)
    relations = jax.random.randint(k2, (BATCH,), 0, NUM_RELATIONS, dtype=jnp.int64 if jax.config.jax_enable_x64 else jnp.int32)
    tails = jax.random.randint(k3, (BATCH,), 0, NUM_ENTITIES, dtype=jnp.int64 if jax.config.jax_enable_x64 else jnp.int32)
    # xavier_uniform init for embedding tables
    bound_e = float(np.sqrt(6.0 / (NUM_ENTITIES + EMBED_DIM)))
    bound_r = float(np.sqrt(6.0 / (NUM_RELATIONS + EMBED_DIM)))
    entity_emb = jax.random.uniform(k4, (NUM_ENTITIES, EMBED_DIM), dtype=jnp.float32, minval=-bound_e, maxval=bound_e)
    relation_emb = jax.random.uniform(k5, (NUM_RELATIONS, EMBED_DIM), dtype=jnp.float32, minval=-bound_r, maxval=bound_r)
    return {"heads": heads, "relations": relations, "tails": tails, "entity_emb": entity_emb, "relation_emb": relation_emb}

def reference(heads, relations, tails, entity_emb, relation_emb):
    # DistMult forward, score_mode='triple', dropout p=0.0 (identity)
    h = jnp.take(entity_emb, heads, axis=0)      # [B, D] gather
    r = jnp.take(relation_emb, relations, axis=0)  # [B, D] gather
    t = jnp.take(entity_emb, tails, axis=0)      # [B, D] gather
    out = jnp.sum(h * r * t, axis=1)             # [B]
    n = r.shape[0]
    return out.reshape(n, -1)                    # [B, 1]

if __name__ == "__main__":
    import jax
    _d = setup_inputs()
    print(jax.jit(kernel)(*tuple(_d.values())))

</pallas_src>

<mosaic_0001>
#map = affine_map<(d0, d1) -> (0)>
#map1 = affine_map<(d0, d1) -> (0, 0)>
module attributes {stable_mosaic.version = 14 : i64} {
  func.func @_body(%arg0: i32, %arg1: i32, %arg2: memref<16384xi32, #tpu.memory_space<hbm>>, %arg3: memref<16384xi32, #tpu.memory_space<hbm>>, %arg4: memref<16384xi32, #tpu.memory_space<hbm>>, %arg5: memref<1000000x128xf32, #tpu.memory_space<hbm>>, %arg6: memref<1000x128xf32, #tpu.memory_space<hbm>>, %arg7: memref<16384xf32, #tpu.memory_space<hbm>>, %arg8: memref<512xi32, #tpu.memory_space<vmem>>, %arg9: memref<512xi32, #tpu.memory_space<vmem>>, %arg10: memref<512xi32, #tpu.memory_space<vmem>>, %arg11: memref<4x64x128xf32, #tpu.memory_space<vmem>>, %arg12: memref<4x64x128xf32, #tpu.memory_space<vmem>>, %arg13: memref<4x64x128xf32, #tpu.memory_space<vmem>>, %arg14: memref<1024xf32, #tpu.memory_space<vmem>>, %arg15: memref<512xf32, #tpu.memory_space<vmem>>, %arg16: memref<4x3x!tpu.dma_semaphore, #tpu.memory_space<semaphore_mem>>) attributes {dimension_semantics = [#tpu.dimension_semantics<core_parallel>, #tpu.dimension_semantics<subcore_parallel>], iteration_bounds = array<i64: 2, 16>, scalar_prefetch = 0 : i64, scratch_operands = 9 : i64, tpu.core_type = #tpu.core_type<sc_vector_subcore>, window_params = [{transform_indices = #map}, {transform_indices = #map}, {transform_indices = #map}, {transform_indices = #map1}, {transform_indices = #map1}, {transform_indices = #map}]} {
    %mul3A = arith.constant 2 : i32
    %mul3A_0 = arith.muli %arg1, %mul3A : i32
    %add3A = arith.addi %mul3A_0, %arg0 : i32
    %mul3A_1 = arith.constant 512 : i32
    %mul3A_2 = arith.muli %add3A, %mul3A_1 : i32
    %dma_start3A = arith.constant 0 : i32
    %dma_start3A_3 = arith.constant 0 : i32
    %dma_start3A_4 = tpu.memref_slice %arg2[%mul3A_2] : memref<16384xi32, #tpu.memory_space<hbm>> -> memref<512xi32, #tpu.memory_space<hbm>>
    %dma_start3A_5 = tpu.memref_slice %arg16[%dma_start3A, %dma_start3A_3] : memref<4x3x!tpu.dma_semaphore, #tpu.memory_space<semaphore_mem>> -> memref<1x1x!tpu.dma_semaphore, #tpu.memory_space<semaphore_mem>>
    %dma_start3A_6 = tpu.memref_squeeze %dma_start3A_5 : memref<1x1x!tpu.dma_semaphore, #tpu.memory_space<semaphore_mem>> -> memref<!tpu.dma_semaphore, #tpu.memory_space<semaphore_mem>>
    %dma_start3A_7 = tpu.memref_slice %arg2[%mul3A_2] : memref<16384xi32, #tpu.memory_space<hbm>> -> memref<512xi32, #tpu.memory_space<hbm>>
    tpu.enqueue_dma source(%dma_start3A_7 : memref<512xi32, #tpu.memory_space<hbm>>) target(%arg8 : memref<512xi32, #tpu.memory_space<vmem>>) target_semaphore(%dma_start3A_6 : memref<!tpu.dma_semaphore, #tpu.memory_space<semaphore_mem>>)
    %dma_start3A_8 = arith.constant 0 : i32
    %dma_start3A_9 = arith.constant 1 : i32
    %dma_start3A_10 = tpu.memref_slice %arg3[%mul3A_2] : memref<16384xi32, #tpu.memory_space<hbm>> -> memref<512xi32, #tpu.memory_space<hbm>>
    %dma_start3A_11 = tpu.memref_slice %arg16[%dma_start3A_8, %dma_start3A_9] : memref<4x3x!tpu.dma_semaphore, #tpu.memory_space<semaphore_mem>> -> memref<1x1x!tpu.dma_semaphore, #tpu.memory_space<semaphore_mem>>
    %dma_start3A_12 = tpu.memref_squeeze %dma_start3A_11 : memref<1x1x!tpu.dma_semaphore, #tpu.memory_space<semaphore_mem>> -> memref<!tpu.dma_semaphore, #tpu.memory_space<semaphore_mem>>
    %dma_start3A_13 = tpu.memref_slice %arg3[%mul3A_2] : memref<16384xi32, #tpu.memory_space<hbm>> -> memref<512xi32, #tpu.memory_space<hbm>>
    tpu.enqueue_dma source(%dma_start3A_13 : memref<512xi32, #tpu.memory_space<hbm>>) target(%arg9 : memref<512xi32, #tpu.memory_space<vmem>>) target_semaphore(%dma_start3A_12 : memref<!tpu.dma_semaphore, #tpu.memory_space<semaphore_mem>>)
    %dma_start3A_14 = arith.constant 0 : i32
    %dma_start3A_15 = arith.constant 2 : i32
    %dma_start3A_16 = tpu.memref_slice %arg4[%mul3A_2] : memref<16384xi32, #tpu.memory_space<hbm>> -> memref<512xi32, #tpu.memory_space<hbm>>
    %dma_start3A_17 = tpu.memref_slice %arg16[%dma_start3A_14, %dma_start3A_15] : memref<4x3x!tpu.dma_semaphore, #tpu.memory_space<semaphore_mem>> -> memref<1x1x!tpu.dma_semaphore, #tpu.memory_space<semaphore_mem>>
    %dma_start3A_18 = tpu.memref_squeeze %dma_start3A_17 : memref<1x1x!tpu.dma_semaphore, #tpu.memory_space<semaphore_mem>> -> memref<!tpu.dma_semaphore, #tpu.memory_space<semaphore_mem>>
    %dma_start3A_19 = tpu.memref_slice %arg4[%mul3A_2] : memref<16384xi32, #tpu.memory_space<hbm>> -> memref<512xi32, #tpu.memory_space<hbm>>
    tpu.enqueue_dma source(%dma_start3A_19 : memref<512xi32, #tpu.memory_space<hbm>>) target(%arg10 : memref<512xi32, #tpu.memory_space<vmem>>) target_semaphore(%dma_start3A_18 : memref<!tpu.dma_semaphore, #tpu.memory_space<semaphore_mem>>)
    %dma_wait3A = arith.constant 0 : i32
    %dma_wait3A_20 = arith.constant 0 : i32
    %dma_wait3A_21 = tpu.memref_slice %arg2[%mul3A_2] : memref<16384xi32, #tpu.memory_space<hbm>> -> memref<512xi32, #tpu.memory_space<hbm>>
    %dma_wait3A_22 = tpu.memref_slice %arg16[%dma_wait3A, %dma_wait3A_20] : memref<4x3x!tpu.dma_semaphore, #tpu.memory_space<semaphore_mem>> -> memref<1x1x!tpu.dma_semaphore, #tpu.memory_space<semaphore_mem>>
    %dma_wait3A_23 = tpu.memref_squeeze %dma_wait3A_22 : memref<1x1x!tpu.dma_semaphore, #tpu.memory_space<semaphore_mem>> -> memref<!tpu.dma_semaphore, #tpu.memory_space<semaphore_mem>>
    %dma_wait3A_24 = tpu.memref_slice %arg2[%mul3A_2] : memref<16384xi32, #tpu.memory_space<hbm>> -> memref<512xi32, #tpu.memory_space<hbm>>
    tpu.wait_dma2 semaphore(%dma_wait3A_23 : memref<!tpu.dma_semaphore, #tpu.memory_space<semaphore_mem>>) src(%dma_wait3A_24 : memref<512xi32, #tpu.memory_space<hbm>>) dst(%arg8 : memref<512xi32, #tpu.memory_space<vmem>>)
    %dma_wait3A_25 = arith.constant 0 : i32
    %dma_wait3A_26 = arith.constant 1 : i32
    %dma_wait3A_27 = tpu.memref_slice %arg3[%mul3A_2] : memref<16384xi32, #tpu.memory_space<hbm>> -> memref<512xi32, #tpu.memory_space<hbm>>
    %dma_wait3A_28 = tpu.memref_slice %arg16[%dma_wait3A_25, %dma_wait3A_26] : memref<4x3x!tpu.dma_semaphore, #tpu.memory_space<semaphore_mem>> -> memref<1x1x!tpu.dma_semaphore, #tpu.memory_space<semaphore_mem>>
    %dma_wait3A_29 = tpu.memref_squeeze %dma_wait3A_28 : memref<1x1x!tpu.dma_semaphore, #tpu.memory_space<semaphore_mem>> -> memref<!tpu.dma_semaphore, #tpu.memory_space<semaphore_mem>>
    %dma_wait3A_30 = tpu.memref_slice %arg3[%mul3A_2] : memref<16384xi32, #tpu.memory_space<hbm>> -> memref<512xi32, #tpu.memory_space<hbm>>
    tpu.wait_dma2 semaphore(%dma_wait3A_29 : memref<!tpu.dma_semaphore, #tpu.memory_space<semaphore_mem>>) src(%dma_wait3A_30 : memref<512xi32, #tpu.memory_space<hbm>>) dst(%arg9 : memref<512xi32, #tpu.memory_space<vmem>>)
    %dma_wait3A_31 = arith.constant 0 : i32
    %dma_wait3A_32 = arith.constant 2 : i32
    %dma_wait3A_33 = tpu.memref_slice %arg4[%mul3A_2] : memref<16384xi32, #tpu.memory_space<hbm>> -> memref<512xi32, #tpu.memory_space<hbm>>
    %dma_wait3A_34 = tpu.memref_slice %arg16[%dma_wait3A_31, %dma_wait3A_32] : memref<4x3x!tpu.dma_semaphore, #tpu.memory_space<semaphore_mem>> -> memref<1x1x!tpu.dma_semaphore, #tpu.memory_space<semaphore_mem>>
    %dma_wait3A_35 = tpu.memref_squeeze %dma_wait3A_34 : memref<1x1x!tpu.dma_semaphore, #tpu.memory_space<semaphore_mem>> -> memref<!tpu.dma_semaphore, #tpu.memory_space<semaphore_mem>>
    %dma_wait3A_36 = tpu.memref_slice %arg4[%mul3A_2] : memref<16384xi32, #tpu.memory_space<hbm>> -> memref<512xi32, #tpu.memory_space<hbm>>
    tpu.wait_dma2 semaphore(%dma_wait3A_35 : memref<!tpu.dma_semaphore, #tpu.memory_space<semaphore_mem>>) src(%dma_wait3A_36 : memref<512xi32, #tpu.memory_space<hbm>>) dst(%arg10 : memref<512xi32, #tpu.memory_space<vmem>>)
    %iota3A = tpu.iota {dimensions = array<i32: 0>} : vector<16xi32>
    %mul3A_37 = arith.constant 16 : i32
    %mul3A_38 = vector.broadcast %mul3A_37 : i32 to vector<16xi32>
    %mul3A_39 = arith.muli %iota3A, %mul3A_38 : vector<16xi32>
    %dma_start3A_40 = arith.constant 0 : i32
    %dma_start3A_41 = arith.constant 0 : i32
    %dma_start3A_42 = arith.constant 0 : i32
    %dma_start3A_43 = arith.constant 0 : i32
    %dma_start3A_44 = arith.constant 0 : i32
    %dma_start3A_45 = tpu.memref_slice %arg11[%dma_start3A_40, %dma_start3A_43, %dma_start3A_44] : memref<4x64x128xf32, #tpu.memory_space<vmem>> -> memref<1x64x128xf32, #tpu.memory_space<vmem>>
    %dma_start3A_46 = tpu.memref_squeeze %dma_start3A_45 : memref<1x64x128xf32, #tpu.memory_space<vmem>> -> memref<64x128xf32, #tpu.memory_space<vmem>>
    %dma_start3A_47 = arith.constant 0 : i32
    %dma_start3A_48 = tpu.memref_slice %arg8[%dma_start3A_47] : memref<512xi32, #tpu.memory_space<vmem>> -> memref<64xi32, #tpu.memory_space<vmem>>
    %dma_start3A_49 = arith.constant 0 : i32
    %dma_start3A_50 = arith.constant 0 : i32
    %dma_start3A_51 = tpu.memref_slice %arg5[%dma_start3A_49, %dma_start3A_50] : memref<1000000x128xf32, #tpu.memory_space<hbm>> -> memref<1000000x128xf32, #tpu.memory_space<hbm>>
    %dma_start3A_52 = tpu.memref_slice %arg16[%dma_start3A_41, %dma_start3A_42] : memref<4x3x!tpu.dma_semaphore, #tpu.memory_space<semaphore_mem>> -> memref<1x1x!tpu.dma_semaphore, #tpu.memory_space<semaphore_mem>>
    %dma_start3A_53 = tpu.memref_squeeze %dma_start3A_52 : memref<1x1x!tpu.dma_semaphore, #tpu.memory_space<semaphore_mem>> -> memref<!tpu.dma_semaphore, #tpu.memory_space<semaphore_mem>>
    tpu.enqueue_indirect_dma source(%dma_start3A_51 : memref<1000000x128xf32, #tpu.memory_space<hbm>>) target(%dma_start3A_46 : memref<64x128xf32, #tpu.memory_space<vmem>>) offsets(%dma_start3A_48 : memref<64xi32, #tpu.memory_space<vmem>>) semaphore(%dma_start3A_53 : memref<!tpu.dma_semaphore, #tpu.memory_space<semaphore_mem>>)
    %dma_start3A_54 = arith.constant 0 : i32
    %dma_start3A_55 = arith.constant 0 : i32
    %dma_start3A_56 = arith.constant 1 : i32
    %dma_start3A_57 = arith.constant 0 : i32
    %dma_start3A_58 = arith.constant 0 : i32
    %dma_start3A_59 = tpu.memref_slice %arg12[%dma_start3A_54, %dma_start3A_57, %dma_start3A_58] : memref<4x64x128xf32, #tpu.memory_space<vmem>> -> memref<1x64x128xf32, #tpu.memory_space<vmem>>
    %dma_start3A_60 = tpu.memref_squeeze %dma_start3A_59 : memref<1x64x128xf32, #tpu.memory_space<vmem>> -> memref<64x128xf32, #tpu.memory_space<vmem>>
    %dma_start3A_61 = arith.constant 0 : i32
    %dma_start3A_62 = tpu.memref_slice %arg9[%dma_start3A_61] : memref<512xi32, #tpu.memory_space<vmem>> -> memref<64xi32, #tpu.memory_space<vmem>>
    %dma_start3A_63 = arith.constant 0 : i32
    %dma_start3A_64 = arith.constant 0 : i32
    %dma_start3A_65 = tpu.memref_slice %arg6[%dma_start3A_63, %dma_start3A_64] : memref<1000x128xf32, #tpu.memory_space<hbm>> -> memref<1000x128xf32, #tpu.memory_space<hbm>>
    %dma_start3A_66 = tpu.memref_slice %arg16[%dma_start3A_55, %dma_start3A_56] : memref<4x3x!tpu.dma_semaphore, #tpu.memory_space<semaphore_mem>> -> memref<1x1x!tpu.dma_semaphore, #tpu.memory_space<semaphore_mem>>
    %dma_start3A_67 = tpu.memref_squeeze %dma_start3A_66 : memref<1x1x!tpu.dma_semaphore, #tpu.memory_space<semaphore_mem>> -> memref<!tpu.dma_semaphore, #tpu.memory_space<semaphore_mem>>
    tpu.enqueue_indirect_dma source(%dma_start3A_65 : memref<1000x128xf32, #tpu.memory_space<hbm>>) target(%dma_start3A_60 : memref<64x128xf32, #tpu.memory_space<vmem>>) offsets(%dma_start3A_62 : memref<64xi32, #tpu.memory_space<vmem>>) semaphore(%dma_start3A_67 : memref<!tpu.dma_semaphore, #tpu.memory_space<semaphore_mem>>)
    %dma_start3A_68 = arith.constant 0 : i32
    %dma_start3A_69 = arith.constant 0 : i32
    %dma_start3A_70 = arith.constant 2 : i32
    %dma_start3A_71 = arith.constant 0 : i32
    %dma_start3A_72 = arith.constant 0 : i32
    %dma_start3A_73 = tpu.memref_slice %arg13[%dma_start3A_68, %dma_start3A_71, %dma_start3A_72] : memref<4x64x128xf32, #tpu.memory_space<vmem>> -> memref<1x64x128xf32, #tpu.memory_space<vmem>>
    %dma_start3A_74 = tpu.memref_squeeze %dma_start3A_73 : memref<1x64x128xf32, #tpu.memory_space<vmem>> -> memref<64x128xf32, #tpu.memory_space<vmem>>
    %dma_start3A_75 = arith.constant 0 : i32
    %dma_start3A_76 = tpu.memref_slice %arg10[%dma_start3A_75] : memref<512xi32, #tpu.memory_space<vmem>> -> memref<64xi32, #tpu.memory_space<vmem>>
    %dma_start3A_77 = arith.constant 0 : i32
    %dma_start3A_78 = arith.constant 0 : i32
    %dma_start3A_79 = tpu.memref_slice %arg5[%dma_start3A_77, %dma_start3A_78] : memref<1000000x128xf32, #tpu.memory_space<hbm>> -> memref<1000000x128xf32, #tpu.memory_space<hbm>>
    %dma_start3A_80 = tpu.memref_slice %arg16[%dma_start3A_69, %dma_start3A_70] : memref<4x3x!tpu.dma_semaphore, #tpu.memory_space<semaphore_mem>> -> memref<1x1x!tpu.dma_semaphore, #tpu.memory_space<semaphore_mem>>
    %dma_start3A_81 = tpu.memref_squeeze %dma_start3A_80 : memref<1x1x!tpu.dma_semaphore, #tpu.memory_space<semaphore_mem>> -> memref<!tpu.dma_semaphore, #tpu.memory_space<semaphore_mem>>
    tpu.enqueue_indirect_dma source(%dma_start3A_79 : memref<1000000x128xf32, #tpu.memory_space<hbm>>) target(%dma_start3A_74 : memref<64x128xf32, #tpu.memory_space<vmem>>) offsets(%dma_start3A_76 : memref<64xi32, #tpu.memory_space<vmem>>) semaphore(%dma_start3A_81 : memref<!tpu.dma_semaphore, #tpu.memory_space<semaphore_mem>>)
    %dma_start3A_82 = arith.constant 1 : i32
    %dma_start3A_83 = arith.constant 1 : i32
    %dma_start3A_84 = arith.constant 0 : i32
    %dma_start3A_85 = arith.constant 0 : i32
    %dma_start3A_86 = arith.constant 0 : i32
    %dma_start3A_87 = tpu.memref_slice %arg11[%dma_start3A_82, %dma_start3A_85, %dma_start3A_86] : memref<4x64x128xf32, #tpu.memory_space<vmem>> -> memref<1x64x128xf32, #tpu.memory_space<vmem>>
    %dma_start3A_88 = tpu.memref_squeeze %dma_start3A_87 : memref<1x64x128xf32, #tpu.memory_space<vmem>> -> memref<64x128xf32, #tpu.memory_space<vmem>>
    %dma_start3A_89 = arith.constant 64 : i32
    %dma_start3A_90 = tpu.memref_slice %arg8[%dma_start3A_89] : memref<512xi32, #tpu.memory_space<vmem>> -> memref<64xi32, #tpu.memory_space<vmem>>
    %dma_start3A_91 = arith.constant 0 : i32
    %dma_start3A_92 = arith.constant 0 : i32
    %dma_start3A_93 = tpu.memref_slice %arg5[%dma_start3A_91, %dma_start3A_92] : memref<1000000x128xf32, #tpu.memory_space<hbm>> -> memref<1000000x128xf32, #tpu.memory_space<hbm>>
    %dma_start3A_94 = tpu.memref_slice %arg16[%dma_start3A_83, %dma_start3A_84] : memref<4x3x!tpu.dma_semaphore, #tpu.memory_space<semaphore_mem>> -> memref<1x1x!tpu.dma_semaphore, #tpu.memory_space<semaphore_mem>>
    %dma_start3A_95 = tpu.memref_squeeze %dma_start3A_94 : memref<1x1x!tpu.dma_semaphore, #tpu.memory_space<semaphore_mem>> -> memref<!tpu.dma_semaphore, #tpu.memory_space<semaphore_mem>>
    tpu.enqueue_indirect_dma source(%dma_start3A_93 : memref<1000000x128xf32, #tpu.memory_space<hbm>>) target(%dma_start3A_88 : memref<64x128xf32, #tpu.memory_space<vmem>>) offsets(%dma_start3A_90 : memref<64xi32, #tpu.memory_space<vmem>>) semaphore(%dma_start3A_95 : memref<!tpu.dma_semaphore, #tpu.memory_space<semaphore_mem>>)
    %dma_start3A_96 = arith.constant 1 : i32
    %dma_start3A_97 = arith.constant 1 : i32
    %dma_start3A_98 = arith.constant 1 : i32
    %dma_start3A_99 = arith.constant 0 : i32
    %dma_start3A_100 = arith.constant 0 : i32
    %dma_start3A_101 = tpu.memref_slice %arg12[%dma_start3A_96, %dma_start3A_99, %dma_start3A_100] : memref<4x64x128xf32, #tpu.memory_space<vmem>> -> memref<1x64x128xf32, #tpu.memory_space<vmem>>
    %dma_start3A_102 = tpu.memref_squeeze %dma_start3A_101 : memref<1x64x128xf32, #tpu.memory_space<vmem>> -> memref<64x128xf32, #tpu.memory_space<vmem>>
    %dma_start3A_103 = arith.constant 64 : i32
    %dma_start3A_104 = tpu.memref_slice %arg9[%dma_start3A_103] : memref<512xi32, #tpu.memory_space<vmem>> -> memref<64xi32, #tpu.memory_space<vmem>>
    %dma_start3A_105 = arith.constant 0 : i32
    %dma_start3A_106 = arith.constant 0 : i32
    %dma_start3A_107 = tpu.memref_slice %arg6[%dma_start3A_105, %dma_start3A_106] : memref<1000x128xf32, #tpu.memory_space<hbm>> -> memref<1000x128xf32, #tpu.memory_space<hbm>>
    %dma_start3A_108 = tpu.memref_slice %arg16[%dma_start3A_97, %dma_start3A_98] : memref<4x3x!tpu.dma_semaphore, #tpu.memory_space<semaphore_mem>> -> memref<1x1x!tpu.dma_semaphore, #tpu.memory_space<semaphore_mem>>
    %dma_start3A_109 = tpu.memref_squeeze %dma_start3A_108 : memref<1x1x!tpu.dma_semaphore, #tpu.memory_space<semaphore_mem>> -> memref<!tpu.dma_semaphore, #tpu.memory_space<semaphore_mem>>
    tpu.enqueue_indirect_dma source(%dma_start3A_107 : memref<1000x128xf32, #tpu.memory_space<hbm>>) target(%dma_start3A_102 : memref<64x128xf32, #tpu.memory_space<vmem>>) offsets(%dma_start3A_104 : memref<64xi32, #tpu.memory_space<vmem>>) semaphore(%dma_start3A_109 : memref<!tpu.dma_semaphore, #tpu.memory_space<semaphore_mem>>)
    %dma_start3A_110 = arith.constant 1 : i32
    %dma_start3A_111 = arith.constant 1 : i32
    %dma_start3A_112 = arith.constant 2 : i32
    %dma_start3A_113 = arith.constant 0 : i32
    %dma_start3A_114 = arith.constant 0 : i32
    %dma_start3A_115 = tpu.memref_slice %arg13[%dma_start3A_110, %dma_start3A_113, %dma_start3A_114] : memref<4x64x128xf32, #tpu.memory_space<vmem>> -> memref<1x64x128xf32, #tpu.memory_space<vmem>>
    %dma_start3A_116 = tpu.memref_squeeze %dma_start3A_115 : memref<1x64x128xf32, #tpu.memory_space<vmem>> -> memref<64x128xf32, #tpu.memory_space<vmem>>
    %dma_start3A_117 = arith.constant 64 : i32
    %dma_start3A_118 = tpu.memref_slice %arg10[%dma_start3A_117] : memref<512xi32, #tpu.memory_space<vmem>> -> memref<64xi32, #tpu.memory_space<vmem>>
    %dma_start3A_119 = arith.constant 0 : i32
    %dma_start3A_120 = arith.constant 0 : i32
    %dma_start3A_121 = tpu.memref_slice %arg5[%dma_start3A_119, %dma_start3A_120] : memref<1000000x128xf32, #tpu.memory_space<hbm>> -> memref<1000000x128xf32, #tpu.memory_space<hbm>>
    %dma_start3A_122 = tpu.memref_slice %arg16[%dma_start3A_111, %dma_start3A_112] : memref<4x3x!tpu.dma_semaphore, #tpu.memory_space<semaphore_mem>> -> memref<1x1x!tpu.dma_semaphore, #tpu.memory_space<semaphore_mem>>
    %dma_start3A_123 = tpu.memref_squeeze %dma_start3A_122 : memref<1x1x!tpu.dma_semaphore, #tpu.memory_space<semaphore_mem>> -> memref<!tpu.dma_semaphore, #tpu.memory_space<semaphore_mem>>
    tpu.enqueue_indirect_dma source(%dma_start3A_121 : memref<1000000x128xf32, #tpu.memory_space<hbm>>) target(%dma_start3A_116 : memref<64x128xf32, #tpu.memory_space<vmem>>) offsets(%dma_start3A_118 : memref<64xi32, #tpu.memory_space<vmem>>) semaphore(%dma_start3A_123 : memref<!tpu.dma_semaphore, #tpu.memory_space<semaphore_mem>>)
    %dma_start3A_124 = arith.constant 2 : i32
    %dma_start3A_125 = arith.constant 2 : i32
    %dma_start3A_126 = arith.constant 0 : i32
    %dma_start3A_127 = arith.constant 0 : i32
    %dma_start3A_128 = arith.constant 0 : i32
    %dma_start3A_129 = tpu.memref_slice %arg11[%dma_start3A_124, %dma_start3A_127, %dma_start3A_128] : memref<4x64x128xf32, #tpu.memory_space<vmem>> -> memref<1x64x128xf32, #tpu.memory_space<vmem>>
    %dma_start3A_130 = tpu.memref_squeeze %dma_start3A_129 : memref<1x64x128xf32, #tpu.memory_space<vmem>> -> memref<64x128xf32, #tpu.memory_space<vmem>>
    %dma_start3A_131 = arith.constant 128 : i32
    %dma_start3A_132 = tpu.memref_slice %arg8[%dma_start3A_131] : memref<512xi32, #tpu.memory_space<vmem>> -> memref<64xi32, #tpu.memory_space<vmem>>
    %dma_start3A_133 = arith.constant 0 : i32
    %dma_start3A_134 = arith.constant 0 : i32
    %dma_start3A_135 = tpu.memref_slice %arg5[%dma_start3A_133, %dma_start3A_134] : memref<1000000x128xf32, #tpu.memory_space<hbm>> -> memref<1000000x128xf32, #tpu.memory_space<hbm>>
    %dma_start3A_136 = tpu.memref_slice %arg16[%dma_start3A_125, %dma_start3A_126] : memref<4x3x!tpu.dma_semaphore, #tpu.memory_space<semaphore_mem>> -> memref<1x1x!tpu.dma_semaphore, #tpu.memory_space<semaphore_mem>>
    %dma_start3A_137 = tpu.memref_squeeze %dma_start3A_136 : memref<1x1x!tpu.dma_semaphore, #tpu.memory_space<semaphore_mem>> -> memref<!tpu.dma_semaphore, #tpu.memory_space<semaphore_mem>>
    tpu.enqueue_indirect_dma source(%dma_start3A_135 : memref<1000000x128xf32, #tpu.memory_space<hbm>>) target(%dma_start3A_130 : memref<64x128xf32, #tpu.memory_space<vmem>>) offsets(%dma_start3A_132 : memref<64xi32, #tpu.memory_space<vmem>>) semaphore(%dma_start3A_137 : memref<!tpu.dma_semaphore, #tpu.memory_space<semaphore_mem>>)
    %dma_start3A_138 = arith.constant 2 : i32
    %dma_start3A_139 = arith.constant 2 : i32
    %dma_start3A_140 = arith.constant 1 : i32
    %dma_start3A_141 = arith.constant 0 : i32
    %dma_start3A_142 = arith.constant 0 : i32
    %dma_start3A_143 = tpu.memref_slice %arg12[%dma_start3A_138, %dma_start3A_141, %dma_start3A_142] : memref<4x64x128xf32, #tpu.memory_space<vmem>> -> memref<1x64x128xf32, #tpu.memory_space<vmem>>
    %dma_start3A_144 = tpu.memref_squeeze %dma_start3A_143 : memref<1x64x128xf32, #tpu.memory_space<vmem>> -> memref<64x128xf32, #tpu.memory_space<vmem>>
    %dma_start3A_145 = arith.constant 128 : i32
    %dma_start3A_146 = tpu.memref_slice %arg9[%dma_start3A_145] : memref<512xi32, #tpu.memory_space<vmem>> -> memref<64xi32, #tpu.memory_space<vmem>>
    %dma_start3A_147 = arith.constant 0 : i32
    %dma_start3A_148 = arith.constant 0 : i32
    %dma_start3A_149 = tpu.memref_slice %arg6[%dma_start3A_147, %dma_start3A_148] : memref<1000x128xf32, #tpu.memory_space<hbm>> -> memref<1000x128xf32, #tpu.memory_space<hbm>>
    %dma_start3A_150 = tpu.memref_slice %arg16[%dma_start3A_139, %dma_start3A_140] : memref<4x3x!tpu.dma_semaphore, #tpu.memory_space<semaphore_mem>> -> memref<1x1x!tpu.dma_semaphore, #tpu.memory_space<semaphore_mem>>
    %dma_start3A_151 = tpu.memref_squeeze %dma_start3A_150 : memref<1x1x!tpu.dma_semaphore, #tpu.memory_space<semaphore_mem>> -> memref<!tpu.dma_semaphore, #tpu.memory_space<semaphore_mem>>
    tpu.enqueue_indirect_dma source(%dma_start3A_149 : memref<1000x128xf32, #tpu.memory_space<hbm>>) target(%dma_start3A_144 : memref<64x128xf32, #tpu.memory_space<vmem>>) offsets(%dma_start3A_146 : memref<64xi32, #tpu.memory_space<vmem>>) semaphore(%dma_start3A_151 : memref<!tpu.dma_semaphore, #tpu.memory_space<semaphore_mem>>)
    %dma_start3A_152 = arith.constant 2 : i32
    %dma_start3A_153 = arith.constant 2 : i32
    %dma_start3A_154 = arith.constant 2 : i32
    %dma_start3A_155 = arith.constant 0 : i32
    %dma_start3A_156 = arith.constant 0 : i32
    %dma_start3A_157 = tpu.memref_slice %arg13[%dma_start3A_152, %dma_start3A_155, %dma_start3A_156] : memref<4x64x128xf32, #tpu.memory_space<vmem>> -> memref<1x64x128xf32, #tpu.memory_space<vmem>>
    %dma_start3A_158 = tpu.memref_squeeze %dma_start3A_157 : memref<1x64x128xf32, #tpu.memory_space<vmem>> -> memref<64x128xf32, #tpu.memory_space<vmem>>
    %dma_start3A_159 = arith.constant 128 : i32
    %dma_start3A_160 = tpu.memref_slice %arg10[%dma_start3A_159] : memref<512xi32, #tpu.memory_space<vmem>> -> memref<64xi32, #tpu.memory_space<vmem>>
    %dma_start3A_161 = arith.constant 0 : i32
    %dma_start3A_162 = arith.constant 0 : i32
    %dma_start3A_163 = tpu.memref_slice %arg5[%dma_start3A_161, %dma_start3A_162] : memref<1000000x128xf32, #tpu.memory_space<hbm>> -> memref<1000000x128xf32, #tpu.memory_space<hbm>>
    %dma_start3A_164 = tpu.memref_slice %arg16[%dma_start3A_153, %dma_start3A_154] : memref<4x3x!tpu.dma_semaphore, #tpu.memory_space<semaphore_mem>> -> memref<1x1x!tpu.dma_semaphore, #tpu.memory_space<semaphore_mem>>
    %dma_start3A_165 = tpu.memref_squeeze %dma_start3A_164 : memref<1x1x!tpu.dma_semaphore, #tpu.memory_space<semaphore_mem>> -> memref<!tpu.dma_semaphore, #tpu.memory_space<semaphore_mem>>
    tpu.enqueue_indirect_dma source(%dma_start3A_163 : memref<1000000x128xf32, #tpu.memory_space<hbm>>) target(%dma_start3A_158 : memref<64x128xf32, #tpu.memory_space<vmem>>) offsets(%dma_start3A_160 : memref<64xi32, #tpu.memory_space<vmem>>) semaphore(%dma_start3A_165 : memref<!tpu.dma_semaphore, #tpu.memory_space<semaphore_mem>>)
    %dma_start3A_166 = arith.constant 3 : i32
    %dma_start3A_167 = arith.constant 3 : i32
    %dma_start3A_168 = arith.constant 0 : i32
    %dma_start3A_169 = arith.constant 0 : i32
    %dma_start3A_170 = arith.constant 0 : i32
    %dma_start3A_171 = tpu.memref_slice %arg11[%dma_start3A_166, %dma_start3A_169, %dma_start3A_170] : memref<4x64x128xf32, #tpu.memory_space<vmem>> -> memref<1x64x128xf32, #tpu.memory_space<vmem>>
    %dma_start3A_172 = tpu.memref_squeeze %dma_start3A_171 : memref<1x64x128xf32, #tpu.memory_space<vmem>> -> memref<64x128xf32, #tpu.memory_space<vmem>>
    %dma_start3A_173 = arith.constant 192 : i32
    %dma_start3A_174 = tpu.memref_slice %arg8[%dma_start3A_173] : memref<512xi32, #tpu.memory_space<vmem>> -> memref<64xi32, #tpu.memory_space<vmem>>
    %dma_start3A_175 = arith.constant 0 : i32
    %dma_start3A_176 = arith.constant 0 : i32
    %dma_start3A_177 = tpu.memref_slice %arg5[%dma_start3A_175, %dma_start3A_176] : memref<1000000x128xf32, #tpu.memory_space<hbm>> -> memref<1000000x128xf32, #tpu.memory_space<hbm>>
    %dma_start3A_178 = tpu.memref_slice %arg16[%dma_start3A_167, %dma_start3A_168] : memref<4x3x!tpu.dma_semaphore, #tpu.memory_space<semaphore_mem>> -> memref<1x1x!tpu.dma_semaphore, #tpu.memory_space<semaphore_mem>>
    %dma_start3A_179 = tpu.memref_squeeze %dma_start3A_178 : memref<1x1x!tpu.dma_semaphore, #tpu.memory_space<semaphore_mem>> -> memref<!tpu.dma_semaphore, #tpu.memory_space<semaphore_mem>>
    tpu.enqueue_indirect_dma source(%dma_start3A_177 : memref<1000000x128xf32, #tpu.memory_space<hbm>>) target(%dma_start3A_172 : memref<64x128xf32, #tpu.memory_space<vmem>>) offsets(%dma_start3A_174 : memref<64xi32, #tpu.memory_space<vmem>>) semaphore(%dma_start3A_179 : memref<!tpu.dma_semaphore, #tpu.memory_space<semaphore_mem>>)
    %dma_start3A_180 = arith.constant 3 : i32
    %dma_start3A_181 = arith.constant 3 : i32
    %dma_start3A_182 = arith.constant 1 : i32
    %dma_start3A_183 = arith.constant 0 : i32
    %dma_start3A_184 = arith.constant 0 : i32
    %dma_start3A_185 = tpu.memref_slice %arg12[%dma_start3A_180, %dma_start3A_183, %dma_start3A_184] : memref<4x64x128xf32, #tpu.memory_space<vmem>> -> memref<1x64x128xf32, #tpu.memory_space<vmem>>
    %dma_start3A_186 = tpu.memref_squeeze %dma_start3A_185 : memref<1x64x128xf32, #tpu.memory_space<vmem>> -> memref<64x128xf32, #tpu.memory_space<vmem>>
    %dma_start3A_187 = arith.constant 192 : i32
    %dma_start3A_188 = tpu.memref_slice %arg9[%dma_start3A_187] : memref<512xi32, #tpu.memory_space<vmem>> -> memref<64xi32, #tpu.memory_space<vmem>>
    %dma_start3A_189 = arith.constant 0 : i32
    %dma_start3A_190 = arith.constant 0 : i32
    %dma_start3A_191 = tpu.memref_slice %arg6[%dma_start3A_189, %dma_start3A_190] : memref<1000x128xf32, #tpu.memory_space<hbm>> -> memref<1000x128xf32, #tpu.memory_space<hbm>>
    %dma_start3A_192 = tpu.memref_slice %arg16[%dma_start3A_181, %dma_start3A_182] : memref<4x3x!tpu.dma_semaphore, #tpu.memory_space<semaphore_mem>> -> memref<1x1x!tpu.dma_semaphore, #tpu.memory_space<semaphore_mem>>
    %dma_start3A_193 = tpu.memref_squeeze %dma_start3A_192 : memref<1x1x!tpu.dma_semaphore, #tpu.memory_space<semaphore_mem>> -> memref<!tpu.dma_semaphore, #tpu.memory_space<semaphore_mem>>
    tpu.enqueue_indirect_dma source(%dma_start3A_191 : memref<1000x128xf32, #tpu.memory_space<hbm>>) target(%dma_start3A_186 : memref<64x128xf32, #tpu.memory_space<vmem>>) offsets(%dma_start3A_188 : memref<64xi32, #tpu.memory_space<vmem>>) semaphore(%dma_start3A_193 : memref<!tpu.dma_semaphore, #tpu.memory_space<semaphore_mem>>)
    %dma_start3A_194 = arith.constant 3 : i32
    %dma_start3A_195 = arith.constant 3 : i32
    %dma_start3A_196 = arith.constant 2 : i32
    %dma_start3A_197 = arith.constant 0 : i32
    %dma_start3A_198 = arith.constant 0 : i32
    %dma_start3A_199 = tpu.memref_slice %arg13[%dma_start3A_194, %dma_start3A_197, %dma_start3A_198] : memref<4x64x128xf32, #tpu.memory_space<vmem>> -> memref<1x64x128xf32, #tpu.memory_space<vmem>>
    %dma_start3A_200 = tpu.memref_squeeze %dma_start3A_199 : memref<1x64x128xf32, #tpu.memory_space<vmem>> -> memref<64x128xf32, #tpu.memory_space<vmem>>
    %dma_start3A_201 = arith.constant 192 : i32
    %dma_start3A_202 = tpu.memref_slice %arg10[%dma_start3A_201] : memref<512xi32, #tpu.memory_space<vmem>> -> memref<64xi32, #tpu.memory_space<vmem>>
    %dma_start3A_203 = arith.constant 0 : i32
    %dma_start3A_204 = arith.constant 0 : i32
    %dma_start3A_205 = tpu.memref_slice %arg5[%dma_start3A_203, %dma_start3A_204] : memref<1000000x128xf32, #tpu.memory_space<hbm>> -> memref<1000000x128xf32, #tpu.memory_space<hbm>>
    %dma_start3A_206 = tpu.memref_slice %arg16[%dma_start3A_195, %dma_start3A_196] : memref<4x3x!tpu.dma_semaphore, #tpu.memory_space<semaphore_mem>> -> memref<1x1x!tpu.dma_semaphore, #tpu.memory_space<semaphore_mem>>
    %dma_start3A_207 = tpu.memref_squeeze %dma_start3A_206 : memref<1x1x!tpu.dma_semaphore, #tpu.memory_space<semaphore_mem>> -> memref<!tpu.dma_semaphore, #tpu.memory_space<semaphore_mem>>
    tpu.enqueue_indirect_dma source(%dma_start3A_205 : memref<1000000x128xf32, #tpu.memory_space<hbm>>) target(%dma_start3A_200 : memref<64x128xf32, #tpu.memory_space<vmem>>) offsets(%dma_start3A_202 : memref<64xi32, #tpu.memory_space<vmem>>) semaphore(%dma_start3A_207 : memref<!tpu.dma_semaphore, #tpu.memory_space<semaphore_mem>>)
    %scan3A = arith.constant 0 : i32
    %scan3A_208 = arith.constant 0 : i32
    %scan3A_209 = arith.constant 8 : i32
    %scan3A_210 = arith.addi %scan3A_208, %scan3A_209 : i32
    %scan3A_211 = arith.constant 1 : i32
    scf.for %scan3A_213 = %scan3A_208 to %scan3A_210 step %scan3A_211  : i32 {
      %rem3A = arith.constant 4 : i32
      %rem3A_214 = arith.remsi %scan3A_213, %rem3A : i32
      %mul3A_215 = arith.constant 64 : i32
      %mul3A_216 = arith.muli %scan3A_213, %mul3A_215 : i32
      %dma_wait3A_217 = arith.constant 0 : i32
      %dma_wait3A_218 = arith.constant 0 : i32
      %dma_wait3A_219 = arith.constant 0 : i32
      %dma_wait3A_220 = tpu.memref_slice %arg11[%rem3A_214, %dma_wait3A_218, %dma_wait3A_219] : memref<4x64x128xf32, #tpu.memory_space<vmem>> -> memref<1x64x128xf32, #tpu.memory_space<vmem>>
      %dma_wait3A_221 = tpu.memref_squeeze %dma_wait3A_220 : memref<1x64x128xf32, #tpu.memory_space<vmem>> -> memref<64x128xf32, #tpu.memory_space<vmem>>
      %dma_wait3A_222 = tpu.memref_slice %arg8[%mul3A_216] : memref<512xi32, #tpu.memory_space<vmem>> -> memref<64xi32, #tpu.memory_space<vmem>>
      %dma_wait3A_223 = arith.constant 0 : i32
      %dma_wait3A_224 = arith.constant 0 : i32
      %dma_wait3A_225 = tpu.memref_slice %arg5[%dma_wait3A_223, %dma_wait3A_224] : memref<1000000x128xf32, #tpu.memory_space<hbm>> -> memref<1000000x128xf32, #tpu.memory_space<hbm>>
      %dma_wait3A_226 = tpu.memref_slice %arg16[%rem3A_214, %dma_wait3A_217] : memref<4x3x!tpu.dma_semaphore, #tpu.memory_space<semaphore_mem>> -> memref<1x1x!tpu.dma_semaphore, #tpu.memory_space<semaphore_mem>>
      %dma_wait3A_227 = tpu.memref_squeeze %dma_wait3A_226 : memref<1x1x!tpu.dma_semaphore, #tpu.memory_space<semaphore_mem>> -> memref<!tpu.dma_semaphore, #tpu.memory_space<semaphore_mem>>
      tpu.wait_indirect_dma semaphore(%dma_wait3A_227 : memref<!tpu.dma_semaphore, #tpu.memory_space<semaphore_mem>>) src(%dma_wait3A_225 : memref<1000000x128xf32, #tpu.memory_space<hbm>>) dst(%dma_wait3A_221 : memref<64x128xf32, #tpu.memory_space<vmem>>)
      %dma_wait3A_228 = arith.constant 1 : i32
      %dma_wait3A_229 = arith.constant 0 : i32
      %dma_wait3A_230 = arith.constant 0 : i32
      %dma_wait3A_231 = tpu.memref_slice %arg12[%rem3A_214, %dma_wait3A_229, %dma_wait3A_230] : memref<4x64x128xf32, #tpu.memory_space<vmem>> -> memref<1x64x128xf32, #tpu.memory_space<vmem>>
      %dma_wait3A_232 = tpu.memref_squeeze %dma_wait3A_231 : memref<1x64x128xf32, #tpu.memory_space<vmem>> -> memref<64x128xf32, #tpu.memory_space<vmem>>
      %dma_wait3A_233 = tpu.memref_slice %arg9[%mul3A_216] : memref<512xi32, #tpu.memory_space<vmem>> -> memref<64xi32, #tpu.memory_space<vmem>>
      %dma_wait3A_234 = arith.constant 0 : i32
      %dma_wait3A_235 = arith.constant 0 : i32
      %dma_wait3A_236 = tpu.memref_slice %arg6[%dma_wait3A_234, %dma_wait3A_235] : memref<1000x128xf32, #tpu.memory_space<hbm>> -> memref<1000x128xf32, #tpu.memory_space<hbm>>
      %dma_wait3A_237 = tpu.memref_slice %arg16[%rem3A_214, %dma_wait3A_228] : memref<4x3x!tpu.dma_semaphore, #tpu.memory_space<semaphore_mem>> -> memref<1x1x!tpu.dma_semaphore, #tpu.memory_space<semaphore_mem>>
      %dma_wait3A_238 = tpu.memref_squeeze %dma_wait3A_237 : memref<1x1x!tpu.dma_semaphore, #tpu.memory_space<semaphore_mem>> -> memref<!tpu.dma_semaphore, #tpu.memory_space<semaphore_mem>>
      tpu.wait_indirect_dma semaphore(%dma_wait3A_238 : memref<!tpu.dma_semaphore, #tpu.memory_space<semaphore_mem>>) src(%dma_wait3A_236 : memref<1000x128xf32, #tpu.memory_space<hbm>>) dst(%dma_wait3A_232 : memref<64x128xf32, #tpu.memory_space<vmem>>)
      %dma_wait3A_239 = arith.constant 2 : i32
      %dma_wait3A_240 = arith.constant 0 : i32
      %dma_wait3A_241 = arith.constant 0 : i32
      %dma_wait3A_242 = tpu.memref_slice %arg13[%rem3A_214, %dma_wait3A_240, %dma_wait3A_241] : memref<4x64x128xf32, #tpu.memory_space<vmem>> -> memref<1x64x128xf32, #tpu.memory_space<vmem>>
      %dma_wait3A_243 = tpu.memref_squeeze %dma_wait3A_242 : memref<1x64x128xf32, #tpu.memory_space<vmem>> -> memref<64x128xf32, #tpu.memory_space<vmem>>
      %dma_wait3A_244 = tpu.memref_slice %arg10[%mul3A_216] : memref<512xi32, #tpu.memory_space<vmem>> -> memref<64xi32, #tpu.memory_space<vmem>>
      %dma_wait3A_245 = arith.constant 0 : i32
      %dma_wait3A_246 = arith.constant 0 : i32
      %dma_wait3A_247 = tpu.memref_slice %arg5[%dma_wait3A_245, %dma_wait3A_246] : memref<1000000x128xf32, #tpu.memory_space<hbm>> -> memref<1000000x128xf32, #tpu.memory_space<hbm>>
      %dma_wait3A_248 = tpu.memref_slice %arg16[%rem3A_214, %dma_wait3A_239] : memref<4x3x!tpu.dma_semaphore, #tpu.memory_space<semaphore_mem>> -> memref<1x1x!tpu.dma_semaphore, #tpu.memory_space<semaphore_mem>>
      %dma_wait3A_249 = tpu.memref_squeeze %dma_wait3A_248 : memref<1x1x!tpu.dma_semaphore, #tpu.memory_space<semaphore_mem>> -> memref<!tpu.dma_semaphore, #tpu.memory_space<semaphore_mem>>
      tpu.wait_indirect_dma semaphore(%dma_wait3A_249 : memref<!tpu.dma_semaphore, #tpu.memory_space<semaphore_mem>>) src(%dma_wait3A_247 : memref<1000000x128xf32, #tpu.memory_space<hbm>>) dst(%dma_wait3A_243 : memref<64x128xf32, #tpu.memory_space<vmem>>)
      %scan3A_250 = arith.constant 0 : i32
      %scan3A_251 = arith.constant 0 : i32
      %scan3A_252 = arith.constant 64 : i32
      %scan3A_253 = arith.addi %scan3A_251, %scan3A_252 : i32
      %scan3A_254 = arith.constant 4 : i32
      scf.for %scan3A_264 = %scan3A_251 to %scan3A_253 step %scan3A_254  : i32 {
        %get3A = arith.constant 0 : i32
        %get3A_265 = arith.constant 0 : i32
        %get3A_266 = tpu.memref_slice %arg11[%rem3A_214, %get3A, %get3A_265] : memref<4x64x128xf32, #tpu.memory_space<vmem>> -> memref<1x64x128xf32, #tpu.memory_space<vmem>>
        %get3A_267 = tpu.memref_squeeze %get3A_266 : memref<1x64x128xf32, #tpu.memory_space<vmem>> -> memref<64x128xf32, #tpu.memory_space<vmem>>
        %get3A_268 = arith.index_cast %scan3A_264 : i32 to index
        %get3A_269 = arith.constant 0 : index
        %get3A_270 = tpu.vector_load %get3A_267[%get3A_268, %get3A_269] {strides = array<i32>} : memref<64x128xf32, #tpu.memory_space<vmem>>, vector<16xf32>,
        %get3A_271 = arith.constant 0 : i32
        %get3A_272 = arith.constant 0 : i32
        %get3A_273 = tpu.memref_slice %arg12[%rem3A_214, %get3A_271, %get3A_272] : memref<4x64x128xf32, #tpu.memory_space<vmem>> -> memref<1x64x128xf32, #tpu.memory_space<vmem>>
        %get3A_274 = tpu.memref_squeeze %get3A_273 : memref<1x64x128xf32, #tpu.memory_space<vmem>> -> memref<64x128xf32, #tpu.memory_space<vmem>>
        %get3A_275 = arith.index_cast %scan3A_264 : i32 to index
        %get3A_276 = arith.constant 0 : index
        %get3A_277 = tpu.vector_load %get3A_274[%get3A_275, %get3A_276] {strides = array<i32>} : memref<64x128xf32, #tpu.memory_space<vmem>>, vector<16xf32>,
        %mul3A_278 = arith.mulf %get3A_270, %get3A_277 : vector<16xf32>
        %get3A_279 = arith.constant 0 : i32
        %get3A_280 = arith.constant 0 : i32
        %get3A_281 = tpu.memref_slice %arg13[%rem3A_214, %get3A_279, %get3A_280] : memref<4x64x128xf32, #tpu.memory_space<vmem>> -> memref<1x64x128xf32, #tpu.memory_space<vmem>>
        %get3A_282 = tpu.memref_squeeze %get3A_281 : memref<1x64x128xf32, #tpu.memory_space<vmem>> -> memref<64x128xf32, #tpu.memory_space<vmem>>
        %get3A_283 = arith.index_cast %scan3A_264 : i32 to index
        %get3A_284 = arith.constant 0 : index
        %get3A_285 = tpu.vector_load %get3A_282[%get3A_283, %get3A_284] {strides = array<i32>} : memref<64x128xf32, #tpu.memory_space<vmem>>, vector<16xf32>,
        %mul3A_286 = arith.mulf %mul3A_278, %get3A_285 : vector<16xf32>
        %get3A_287 = arith.constant 0 : i32
        %get3A_288 = arith.constant 0 : i32
        %get3A_289 = tpu.memref_slice %arg11[%rem3A_214, %get3A_287, %get3A_288] : memref<4x64x128xf32, #tpu.memory_space<vmem>> -> memref<1x64x128xf32, #tpu.memory_space<vmem>>
        %get3A_290 = tpu.memref_squeeze %get3A_289 : memref<1x64x128xf32, #tpu.memory_space<vmem>> -> memref<64x128xf32, #tpu.memory_space<vmem>>
        %get3A_291 = arith.index_cast %scan3A_264 : i32 to index
        %get3A_292 = arith.constant 16 : index
        %get3A_293 = tpu.vector_load %get3A_290[%get3A_291, %get3A_292] {strides = array<i32>} : memref<64x128xf32, #tpu.memory_space<vmem>>, vector<16xf32>,
        %get3A_294 = arith.constant 0 : i32
        %get3A_295 = arith.constant 0 : i32
        %get3A_296 = tpu.memref_slice %arg12[%rem3A_214, %get3A_294, %get3A_295] : memref<4x64x128xf32, #tpu.memory_space<vmem>> -> memref<1x64x128xf32, #tpu.memory_space<vmem>>
        %get3A_297 = tpu.memref_squeeze %get3A_296 : memref<1x64x128xf32, #tpu.memory_space<vmem>> -> memref<64x128xf32, #tpu.memory_space<vmem>>
        %get3A_298 = arith.index_cast %scan3A_264 : i32 to index
        %get3A_299 = arith.constant 16 : index
        %get3A_300 = tpu.vector_load %get3A_297[%get3A_298, %get3A_299] {strides = array<i32>} : memref<64x128xf32, #tpu.memory_space<vmem>>, vector<16xf32>,
        %mul3A_301 = arith.mulf %get3A_293, %get3A_300 : vector<16xf32>
        %get3A_302 = arith.constant 0 : i32
        %get3A_303 = arith.constant 0 : i32
        %get3A_304 = tpu.memref_slice %arg13[%rem3A_214, %get3A_302, %get3A_303] : memref<4x64x128xf32, #tpu.memory_space<vmem>> -> memref<1x64x128xf32, #tpu.memory_space<vmem>>
        %get3A_305 = tpu.memref_squeeze %get3A_304 : memref<1x64x128xf32, #tpu.memory_space<vmem>> -> memref<64x128xf32, #tpu.memory_space<vmem>>
        %get3A_306 = arith.index_cast %scan3A_264 : i32 to index
        %get3A_307 = arith.constant 16 : index
        %get3A_308 = tpu.vector_load %get3A_305[%get3A_306, %get3A_307] {strides = array<i32>} : memref<64x128xf32, #tpu.memory_space<vmem>>, vector<16xf32>,
        %mul3A_309 = arith.mulf %mul3A_301, %get3A_308 : vector<16xf32>
        %get3A_310 = arith.constant 0 : i32
        %get3A_311 = arith.constant 0 : i32
        %get3A_312 = tpu.memref_slice %arg11[%rem3A_214, %get3A_310, %get3A_311] : memref<4x64x128xf32, #tpu.memory_space<vmem>> -> memref<1x64x128xf32, #tpu.memory_space<vmem>>
        %get3A_313 = tpu.memref_squeeze %get3A_312 : memref<1x64x128xf32, #tpu.memory_space<vmem>> -> memref<64x128xf32, #tpu.memory_space<vmem>>
        %get3A_314 = arith.index_cast %scan3A_264 : i32 to index
        %get3A_315 = arith.constant 32 : index
        %get3A_316 = tpu.vector_load %get3A_313[%get3A_314, %get3A_315] {strides = array<i32>} : memref<64x128xf32, #tpu.memory_space<vmem>>, vector<16xf32>,
        %get3A_317 = arith.constant 0 : i32
        %get3A_318 = arith.constant 0 : i32
        %get3A_319 = tpu.memref_slice %arg12[%rem3A_214, %get3A_317, %get3A_318] : memref<4x64x128xf32, #tpu.memory_space<vmem>> -> memref<1x64x128xf32, #tpu.memory_space<vmem>>
        %get3A_320 = tpu.memref_squeeze %get3A_319 : memref<1x64x128xf32, #tpu.memory_space<vmem>> -> memref<64x128xf32, #tpu.memory_space<vmem>>
        %get3A_321 = arith.index_cast %scan3A_264 : i32 to index
        %get3A_322 = arith.constant 32 : index
        %get3A_323 = tpu.vector_load %get3A_320[%get3A_321, %get3A_322] {strides = array<i32>} : memref<64x128xf32, #tpu.memory_space<vmem>>, vector<16xf32>,
        %mul3A_324 = arith.mulf %get3A_316, %get3A_323 : vector<16xf32>
        %get3A_325 = arith.constant 0 : i32
        %get3A_326 = arith.constant 0 : i32
        %get3A_327 = tpu.memref_slice %arg13[%rem3A_214, %get3A_325, %get3A_326] : memref<4x64x128xf32, #tpu.memory_space<vmem>> -> memref<1x64x128xf32, #tpu.memory_space<vmem>>
        %get3A_328 = tpu.memref_squeeze %get3A_327 : memref<1x64x128xf32, #tpu.memory_space<vmem>> -> memref<64x128xf32, #tpu.memory_space<vmem>>
        %get3A_329 = arith.index_cast %scan3A_264 : i32 to index
        %get3A_330 = arith.constant 32 : index
        %get3A_331 = tpu.vector_load %get3A_328[%get3A_329, %get3A_330] {strides = array<i32>} : memref<64x128xf32, #tpu.memory_space<vmem>>, vector<16xf32>,
        %mul3A_332 = arith.mulf %mul3A_324, %get3A_331 : vector<16xf32>
        %get3A_333 = arith.constant 0 : i32
        %get3A_334 = arith.constant 0 : i32
        %get3A_335 = tpu.memref_slice %arg11[%rem3A_214, %get3A_333, %get3A_334] : memref<4x64x128xf32, #tpu.memory_space<vmem>> -> memref<1x64x128xf32, #tpu.memory_space<vmem>>
        %get3A_336 = tpu.memref_squeeze %get3A_335 : memref<1x64x128xf32, #tpu.memory_space<vmem>> -> memref<64x128xf32, #tpu.memory_space<vmem>>
        %get3A_337 = arith.index_cast %scan3A_264 : i32 to index
        %get3A_338 = arith.constant 48 : index
        %get3A_339 = tpu.vector_load %get3A_336[%get3A_337, %get3A_338] {strides = array<i32>} : memref<64x128xf32, #tpu.memory_space<vmem>>, vector<16xf32>,
        %get3A_340 = arith.constant 0 : i32
        %get3A_341 = arith.constant 0 : i32
        %get3A_342 = tpu.memref_slice %arg12[%rem3A_214, %get3A_340, %get3A_341] : memref<4x64x128xf32, #tpu.memory_space<vmem>> -> memref<1x64x128xf32, #tpu.memory_space<vmem>>
        %get3A_343 = tpu.memref_squeeze %get3A_342 : memref<1x64x128xf32, #tpu.memory_space<vmem>> -> memref<64x128xf32, #tpu.memory_space<vmem>>
        %get3A_344 = arith.index_cast %scan3A_264 : i32 to index
        %get3A_345 = arith.constant 48 : index
        %get3A_346 = tpu.vector_load %get3A_343[%get3A_344, %get3A_345] {strides = array<i32>} : memref<64x128xf32, #tpu.memory_space<vmem>>, vector<16xf32>,
        %mul3A_347 = arith.mulf %get3A_339, %get3A_346 : vector<16xf32>
        %get3A_348 = arith.constant 0 : i32
        %get3A_349 = arith.constant 0 : i32
        %get3A_350 = tpu.memref_slice %arg13[%rem3A_214, %get3A_348, %get3A_349] : memref<4x64x128xf32, #tpu.memory_space<vmem>> -> memref<1x64x128xf32, #tpu.memory_space<vmem>>
        %get3A_351 = tpu.memref_squeeze %get3A_350 : memref<1x64x128xf32, #tpu.memory_space<vmem>> -> memref<64x128xf32, #tpu.memory_space<vmem>>
        %get3A_352 = arith.index_cast %scan3A_264 : i32 to index
        %get3A_353 = arith.constant 48 : index
        %get3A_354 = tpu.vector_load %get3A_351[%get3A_352, %get3A_353] {strides = array<i32>} : memref<64x128xf32, #tpu.memory_space<vmem>>, vector<16xf32>,
        %mul3A_355 = arith.mulf %mul3A_347, %get3A_354 : vector<16xf32>
        %get3A_356 = arith.constant 0 : i32
        %get3A_357 = arith.constant 0 : i32
        %get3A_358 = tpu.memref_slice %arg11[%rem3A_214, %get3A_356, %get3A_357] : memref<4x64x128xf32, #tpu.memory_space<vmem>> -> memref<1x64x128xf32, #tpu.memory_space<vmem>>
        %get3A_359 = tpu.memref_squeeze %get3A_358 : memref<1x64x128xf32, #tpu.memory_space<vmem>> -> memref<64x128xf32, #tpu.memory_space<vmem>>
        %get3A_360 = arith.index_cast %scan3A_264 : i32 to index
        %get3A_361 = arith.constant 64 : index
        %get3A_362 = tpu.vector_load %get3A_359[%get3A_360, %get3A_361] {strides = array<i32>} : memref<64x128xf32, #tpu.memory_space<vmem>>, vector<16xf32>,
        %get3A_363 = arith.constant 0 : i32
        %get3A_364 = arith.constant 0 : i32
        %get3A_365 = tpu.memref_slice %arg12[%rem3A_214, %get3A_363, %get3A_364] : memref<4x64x128xf32, #tpu.memory_space<vmem>> -> memref<1x64x128xf32, #tpu.memory_space<vmem>>
        %get3A_366 = tpu.memref_squeeze %get3A_365 : memref<1x64x128xf32, #tpu.memory_space<vmem>> -> memref<64x128xf32, #tpu.memory_space<vmem>>
        %get3A_367 = arith.index_cast %scan3A_264 : i32 to index
        %get3A_368 = arith.constant 64 : index
        %get3A_369 = tpu.vector_load %get3A_366[%get3A_367, %get3A_368] {strides = array<i32>} : memref<64x128xf32, #tpu.memory_space<vmem>>, vector<16xf32>,
        %mul3A_370 = arith.mulf %get3A_362, %get3A_369 : vector<16xf32>
        %get3A_371 = arith.constant 0 : i32
        %get3A_372 = arith.constant 0 : i32
        %get3A_373 = tpu.memref_slice %arg13[%rem3A_214, %get3A_371, %get3A_372] : memref<4x64x128xf32, #tpu.memory_space<vmem>> -> memref<1x64x128xf32, #tpu.memory_space<vmem>>
        %get3A_374 = tpu.memref_squeeze %get3A_373 : memref<1x64x128xf32, #tpu.memory_space<vmem>> -> memref<64x128xf32, #tpu.memory_space<vmem>>
        %get3A_375 = arith.index_cast %scan3A_264 : i32 to index
        %get3A_376 = arith.constant 64 : index
        %get3A_377 = tpu.vector_load %get3A_374[%get3A_375, %get3A_376] {strides = array<i32>} : memref<64x128xf32, #tpu.memory_space<vmem>>, vector<16xf32>,
        %mul3A_378 = arith.mulf %mul3A_370, %get3A_377 : vector<16xf32>
        %get3A_379 = arith.constant 0 : i32
        %get3A_380 = arith.constant 0 : i32
        %get3A_381 = tpu.memref_slice %arg11[%rem3A_214, %get3A_379, %get3A_380] : memref<4x64x128xf32, #tpu.memory_space<vmem>> -> memref<1x64x128xf32, #tpu.memory_space<vmem>>
        %get3A_382 = tpu.memref_squeeze %get3A_381 : memref<1x64x128xf32, #tpu.memory_space<vmem>> -> memref<64x128xf32, #tpu.memory_space<vmem>>
        %get3A_383 = arith.index_cast %scan3A_264 : i32 to index
        %get3A_384 = arith.constant 80 : index
        %get3A_385 = tpu.vector_load %get3A_382[%get3A_383, %get3A_384] {strides = array<i32>} : memref<64x128xf32, #tpu.memory_space<vmem>>, vector<16xf32>,
        %get3A_386 = arith.constant 0 : i32
        %get3A_387 = arith.constant 0 : i32
        %get3A_388 = tpu.memref_slice %arg12[%rem3A_214, %get3A_386, %get3A_387] : memref<4x64x128xf32, #tpu.memory_space<vmem>> -> memref<1x64x128xf32, #tpu.memory_space<vmem>>
        %get3A_389 = tpu.memref_squeeze %get3A_388 : memref<1x64x128xf32, #tpu.memory_space<vmem>> -> memref<64x128xf32, #tpu.memory_space<vmem>>
        %get3A_390 = arith.index_cast %scan3A_264 : i32 to index
        %get3A_391 = arith.constant 80 : index
        %get3A_392 = tpu.vector_load %get3A_389[%get3A_390, %get3A_391] {strides = array<i32>} : memref<64x128xf32, #tpu.memory_space<vmem>>, vector<16xf32>,
        %mul3A_393 = arith.mulf %get3A_385, %get3A_392 : vector<16xf32>
        %get3A_394 = arith.constant 0 : i32
        %get3A_395 = arith.constant 0 : i32
        %get3A_396 = tpu.memref_slice %arg13[%rem3A_214, %get3A_394, %get3A_395] : memref<4x64x128xf32, #tpu.memory_space<vmem>> -> memref<1x64x128xf32, #tpu.memory_space<vmem>>
        %get3A_397 = tpu.memref_squeeze %get3A_396 : memref<1x64x128xf32, #tpu.memory_space<vmem>> -> memref<64x128xf32, #tpu.memory_space<vmem>>
        %get3A_398 = arith.index_cast %scan3A_264 : i32 to index
        %get3A_399 = arith.constant 80 : index
        %get3A_400 = tpu.vector_load %get3A_397[%get3A_398, %get3A_399] {strides = array<i32>} : memref<64x128xf32, #tpu.memory_space<vmem>>, vector<16xf32>,
        %mul3A_401 = arith.mulf %mul3A_393, %get3A_400 : vector<16xf32>
        %get3A_402 = arith.constant 0 : i32
        %get3A_403 = arith.constant 0 : i32
        %get3A_404 = tpu.memref_slice %arg11[%rem3A_214, %get3A_402, %get3A_403] : memref<4x64x128xf32, #tpu.memory_space<vmem>> -> memref<1x64x128xf32, #tpu.memory_space<vmem>>
        %get3A_405 = tpu.memref_squeeze %get3A_404 : memref<1x64x128xf32, #tpu.memory_space<vmem>> -> memref<64x128xf32, #tpu.memory_space<vmem>>
        %get3A_406 = arith.index_cast %scan3A_264 : i32 to index
        %get3A_407 = arith.constant 96 : index
        %get3A_408 = tpu.vector_load %get3A_405[%get3A_406, %get3A_407] {strides = array<i32>} : memref<64x128xf32, #tpu.memory_space<vmem>>, vector<16xf32>,
        %get3A_409 = arith.constant 0 : i32
        %get3A_410 = arith.constant 0 : i32
        %get3A_411 = tpu.memref_slice %arg12[%rem3A_214, %get3A_409, %get3A_410] : memref<4x64x128xf32, #tpu.memory_space<vmem>> -> memref<1x64x128xf32, #tpu.memory_space<vmem>>
        %get3A_412 = tpu.memref_squeeze %get3A_411 : memref<1x64x128xf32, #tpu.memory_space<vmem>> -> memref<64x128xf32, #tpu.memory_space<vmem>>
        %get3A_413 = arith.index_cast %scan3A_264 : i32 to index
        %get3A_414 = arith.constant 96 : index
        %get3A_415 = tpu.vector_load %get3A_412[%get3A_413, %get3A_414] {strides = array<i32>} : memref<64x128xf32, #tpu.memory_space<vmem>>, vector<16xf32>,
        %mul3A_416 = arith.mulf %get3A_408, %get3A_415 : vector<16xf32>
        %get3A_417 = arith.constant 0 : i32
        %get3A_418 = arith.constant 0 : i32
        %get3A_419 = tpu.memref_slice %arg13[%rem3A_214, %get3A_417, %get3A_418] : memref<4x64x128xf32, #tpu.memory_space<vmem>> -> memref<1x64x128xf32, #tpu.memory_space<vmem>>
        %get3A_420 = tpu.memref_squeeze %get3A_419 : memref<1x64x128xf32, #tpu.memory_space<vmem>> -> memref<64x128xf32, #tpu.memory_space<vmem>>
        %get3A_421 = arith.index_cast %scan3A_264 : i32 to index
        %get3A_422 = arith.constant 96 : index
        %get3A_423 = tpu.vector_load %get3A_420[%get3A_421, %get3A_422] {strides = array<i32>} : memref<64x128xf32, #tpu.memory_space<vmem>>, vector<16xf32>,
        %mul3A_424 = arith.mulf %mul3A_416, %get3A_423 : vector<16xf32>
        %get3A_425 = arith.constant 0 : i32
        %get3A_426 = arith.constant 0 : i32
        %get3A_427 = tpu.memref_slice %arg11[%rem3A_214, %get3A_425, %get3A_426] : memref<4x64x128xf32, #tpu.memory_space<vmem>> -> memref<1x64x128xf32, #tpu.memory_space<vmem>>
        %get3A_428 = tpu.memref_squeeze %get3A_427 : memref<1x64x128xf32, #tpu.memory_space<vmem>> -> memref<64x128xf32, #tpu.memory_space<vmem>>
        %get3A_429 = arith.index_cast %scan3A_264 : i32 to index
        %get3A_430 = arith.constant 112 : index
        %get3A_431 = tpu.vector_load %get3A_428[%get3A_429, %get3A_430] {strides = array<i32>} : memref<64x128xf32, #tpu.memory_space<vmem>>, vector<16xf32>,
        %get3A_432 = arith.constant 0 : i32
        %get3A_433 = arith.constant 0 : i32
        %get3A_434 = tpu.memref_slice %arg12[%rem3A_214, %get3A_432, %get3A_433] : memref<4x64x128xf32, #tpu.memory_space<vmem>> -> memref<1x64x128xf32, #tpu.memory_space<vmem>>
        %get3A_435 = tpu.memref_squeeze %get3A_434 : memref<1x64x128xf32, #tpu.memory_space<vmem>> -> memref<64x128xf32, #tpu.memory_space<vmem>>
        %get3A_436 = arith.index_cast %scan3A_264 : i32 to index
        %get3A_437 = arith.constant 112 : index
        %get3A_438 = tpu.vector_load %get3A_435[%get3A_436, %get3A_437] {strides = array<i32>} : memref<64x128xf32, #tpu.memory_space<vmem>>, vector<16xf32>,
        %mul3A_439 = arith.mulf %get3A_431, %get3A_438 : vector<16xf32>
        %get3A_440 = arith.constant 0 : i32
        %get3A_441 = arith.constant 0 : i32
        %get3A_442 = tpu.memref_slice %arg13[%rem3A_214, %get3A_440, %get3A_441] : memref<4x64x128xf32, #tpu.memory_space<vmem>> -> memref<1x64x128xf32, #tpu.memory_space<vmem>>
        %get3A_443 = tpu.memref_squeeze %get3A_442 : memref<1x64x128xf32, #tpu.memory_space<vmem>> -> memref<64x128xf32, #tpu.memory_space<vmem>>
        %get3A_444 = arith.index_cast %scan3A_264 : i32 to index
        %get3A_445 = arith.constant 112 : index
        %get3A_446 = tpu.vector_load %get3A_443[%get3A_444, %get3A_445] {strides = array<i32>} : memref<64x128xf32, #tpu.memory_space<vmem>>, vector<16xf32>,
        %mul3A_447 = arith.mulf %mul3A_439, %get3A_446 : vector<16xf32>
        %add3A_448 = arith.addf %mul3A_286, %mul3A_309 : vector<16xf32>
        %add3A_449 = arith.addf %mul3A_332, %mul3A_355 : vector<16xf32>
        %add3A_450 = arith.addf %mul3A_378, %mul3A_401 : vector<16xf32>
        %add3A_451 = arith.addf %mul3A_424, %mul3A_447 : vector<16xf32>
        %add3A_452 = arith.addf %add3A_448, %add3A_449 : vector<16xf32>
        %add3A_453 = arith.addf %add3A_450, %add3A_451 : vector<16xf32>
        %add3A_454 = arith.addf %add3A_452, %add3A_453 : vector<16xf32>
        %mul3A_455 = arith.constant 16 : i32
        %mul3A_456 = arith.muli %scan3A_264, %mul3A_455 : i32
        %swap3A = arith.index_cast %mul3A_456 : i32 to index
        %swap3A_457 = tpu.vector_load %arg14[%swap3A] {strides = array<i32>} : memref<1024xf32, #tpu.memory_space<vmem>>, vector<16xf32>,
        tpu.vector_store %arg14[%swap3A], %add3A_454 {strides = array<i32>} : memref<1024xf32, #tpu.memory_space<vmem>>, vector<16xf32>,
        %scan3A_458 = arith.constant 1 : i32
        %scan3A_459 = arith.addi %scan3A_264, %scan3A_458 : i32
        %get3A_460 = arith.constant 0 : i32
        %get3A_461 = arith.constant 0 : i32
        %get3A_462 = tpu.memref_slice %arg11[%rem3A_214, %get3A_460, %get3A_461] : memref<4x64x128xf32, #tpu.memory_space<vmem>> -> memref<1x64x128xf32, #tpu.memory_space<vmem>>
        %get3A_463 = tpu.memref_squeeze %get3A_462 : memref<1x64x128xf32, #tpu.memory_space<vmem>> -> memref<64x128xf32, #tpu.memory_space<vmem>>
        %get3A_464 = arith.index_cast %scan3A_459 : i32 to index
        %get3A_465 = arith.constant 0 : index
        %get3A_466 = tpu.vector_load %get3A_463[%get3A_464, %get3A_465] {strides = array<i32>} : memref<64x128xf32, #tpu.memory_space<vmem>>, vector<16xf32>,
        %get3A_467 = arith.constant 0 : i32
        %get3A_468 = arith.constant 0 : i32
        %get3A_469 = tpu.memref_slice %arg12[%rem3A_214, %get3A_467, %get3A_468] : memref<4x64x128xf32, #tpu.memory_space<vmem>> -> memref<1x64x128xf32, #tpu.memory_space<vmem>>
        %get3A_470 = tpu.memref_squeeze %get3A_469 : memref<1x64x128xf32, #tpu.memory_space<vmem>> -> memref<64x128xf32, #tpu.memory_space<vmem>>
        %get3A_471 = arith.index_cast %scan3A_459 : i32 to index
        %get3A_472 = arith.constant 0 : index
        %get3A_473 = tpu.vector_load %get3A_470[%get3A_471, %get3A_472] {strides = array<i32>} : memref<64x128xf32, #tpu.memory_space<vmem>>, vector<16xf32>,
        %mul3A_474 = arith.mulf %get3A_466, %get3A_473 : vector<16xf32>
        %get3A_475 = arith.constant 0 : i32
        %get3A_476 = arith.constant 0 : i32
        %get3A_477 = tpu.memref_slice %arg13[%rem3A_214, %get3A_475, %get3A_476] : memref<4x64x128xf32, #tpu.memory_space<vmem>> -> memref<1x64x128xf32, #tpu.memory_space<vmem>>
        %get3A_478 = tpu.memref_squeeze %get3A_477 : memref<1x64x128xf32, #tpu.memory_space<vmem>> -> memref<64x128xf32, #tpu.memory_space<vmem>>
        %get3A_479 = arith.index_cast %scan3A_459 : i32 to index
        %get3A_480 = arith.constant 0 : index
        %get3A_481 = tpu.vector_load %get3A_478[%get3A_479, %get3A_480] {strides = array<i32>} : memref<64x128xf32, #tpu.memory_space<vmem>>, vector<16xf32>,
        %mul3A_482 = arith.mulf %mul3A_474, %get3A_481 : vector<16xf32>
        %get3A_483 = arith.constant 0 : i32
        %get3A_484 = arith.constant 0 : i32
        %get3A_485 = tpu.memref_slice %arg11[%rem3A_214, %get3A_483, %get3A_484] : memref<4x64x128xf32, #tpu.memory_space<vmem>> -> memref<1x64x128xf32, #tpu.memory_space<vmem>>
        %get3A_486 = tpu.memref_squeeze %get3A_485 : memref<1x64x128xf32, #tpu.memory_space<vmem>> -> memref<64x128xf32, #tpu.memory_space<vmem>>
        %get3A_487 = arith.index_cast %scan3A_459 : i32 to index
        %get3A_488 = arith.constant 16 : index
        %get3A_489 = tpu.vector_load %get3A_486[%get3A_487, %get3A_488] {strides = array<i32>} : memref<64x128xf32, #tpu.memory_space<vmem>>, vector<16xf32>,
        %get3A_490 = arith.constant 0 : i32
        %get3A_491 = arith.constant 0 : i32
        %get3A_492 = tpu.memref_slice %arg12[%rem3A_214, %get3A_490, %get3A_491] : memref<4x64x128xf32, #tpu.memory_space<vmem>> -> memref<1x64x128xf32, #tpu.memory_space<vmem>>
        %get3A_493 = tpu.memref_squeeze %get3A_492 : memref<1x64x128xf32, #tpu.memory_space<vmem>> -> memref<64x128xf32, #tpu.memory_space<vmem>>
        %get3A_494 = arith.index_cast %scan3A_459 : i32 to index
        %get3A_495 = arith.constant 16 : index
        %get3A_496 = tpu.vector_load %get3A_493[%get3A_494, %get3A_495] {strides = array<i32>} : memref<64x128xf32, #tpu.memory_space<vmem>>, vector<16xf32>,
        %mul3A_497 = arith.mulf %get3A_489, %get3A_496 : vector<16xf32>
        %get3A_498 = arith.constant 0 : i32
        %get3A_499 = arith.constant 0 : i32
        %get3A_500 = tpu.memref_slice %arg13[%rem3A_214, %get3A_498, %get3A_499] : memref<4x64x128xf32, #tpu.memory_space<vmem>> -> memref<1x64x128xf32, #tpu.memory_space<vmem>>
        %get3A_501 = tpu.memref_squeeze %get3A_500 : memref<1x64x128xf32, #tpu.memory_space<vmem>> -> memref<64x128xf32, #tpu.memory_space<vmem>>
        %get3A_502 = arith.index_cast %scan3A_459 : i32 to index
        %get3A_503 = arith.constant 16 : index
        %get3A_504 = tpu.vector_load %get3A_501[%get3A_502, %get3A_503] {strides = array<i32>} : memref<64x128xf32, #tpu.memory_space<vmem>>, vector<16xf32>,
        %mul3A_505 = arith.mulf %mul3A_497, %get3A_504 : vector<16xf32>
        %get3A_506 = arith.constant 0 : i32
        %get3A_507 = arith.constant 0 : i32
        %get3A_508 = tpu.memref_slice %arg11[%rem3A_214, %get3A_506, %get3A_507] : memref<4x64x128xf32, #tpu.memory_space<vmem>> -> memref<1x64x128xf32, #tpu.memory_space<vmem>>
        %get3A_509 = tpu.memref_squeeze %get3A_508 : memref<1x64x128xf32, #tpu.memory_space<vmem>> -> memref<64x128xf32, #tpu.memory_space<vmem>>
        %get3A_510 = arith.index_cast %scan3A_459 : i32 to index
        %get3A_511 = arith.constant 32 : index
        %get3A_512 = tpu.vector_load %get3A_509[%get3A_510, %get3A_511] {strides = array<i32>} : memref<64x128xf32, #tpu.memory_space<vmem>>, vector<16xf32>,
        %get3A_513 = arith.constant 0 : i32
        %get3A_514 = arith.constant 0 : i32
        %get3A_515 = tpu.memref_slice %arg12[%rem3A_214, %get3A_513, %get3A_514] : memref<4x64x128xf32, #tpu.memory_space<vmem>> -> memref<1x64x128xf32, #tpu.memory_space<vmem>>
        %get3A_516 = tpu.memref_squeeze %get3A_515 : memref<1x64x128xf32, #tpu.memory_space<vmem>> -> memref<64x128xf32, #tpu.memory_space<vmem>>
        %get3A_517 = arith.index_cast %scan3A_459 : i32 to index
        %get3A_518 = arith.constant 32 : index
        %get3A_519 = tpu.vector_load %get3A_516[%get3A_517, %get3A_518] {strides = array<i32>} : memref<64x128xf32, #tpu.memory_space<vmem>>, vector<16xf32>,
        %mul3A_520 = arith.mulf %get3A_512, %get3A_519 : vector<16xf32>
        %get3A_521 = arith.constant 0 : i32
        %get3A_522 = arith.constant 0 : i32
        %get3A_523 = tpu.memref_slice %arg13[%rem3A_214, %get3A_521, %get3A_522] : memref<4x64x128xf32, #tpu.memory_space<vmem>> -> memref<1x64x128xf32, #tpu.memory_space<vmem>>
        %get3A_524 = tpu.memref_squeeze %get3A_523 : memref<1x64x128xf32, #tpu.memory_space<vmem>> -> memref<64x128xf32, #tpu.memory_space<vmem>>
        %get3A_525 = arith.index_cast %scan3A_459 : i32 to index
        %get3A_526 = arith.constant 32 : index
        %get3A_527 = tpu.vector_load %get3A_524[%get3A_525, %get3A_526] {strides = array<i32>} : memref<64x128xf32, #tpu.memory_space<vmem>>, vector<16xf32>,
        %mul3A_528 = arith.mulf %mul3A_520, %get3A_527 : vector<16xf32>
        %get3A_529 = arith.constant 0 : i32
        %get3A_530 = arith.constant 0 : i32
        %get3A_531 = tpu.memref_slice %arg11[%rem3A_214, %get3A_529, %get3A_530] : memref<4x64x128xf32, #tpu.memory_space<vmem>> -> memref<1x64x128xf32, #tpu.memory_space<vmem>>
        %get3A_532 = tpu.memref_squeeze %get3A_531 : memref<1x64x128xf32, #tpu.memory_space<vmem>> -> memref<64x128xf32, #tpu.memory_space<vmem>>
        %get3A_533 = arith.index_cast %scan3A_459 : i32 to index
        %get3A_534 = arith.constant 48 : index
        %get3A_535 = tpu.vector_load %get3A_532[%get3A_533, %get3A_534] {strides = array<i32>} : memref<64x128xf32, #tpu.memory_space<vmem>>, vector<16xf32>,
        %get3A_536 = arith.constant 0 : i32
        %get3A_537 = arith.constant 0 : i32
        %get3A_538 = tpu.memref_slice %arg12[%rem3A_214, %get3A_536, %get3A_537] : memref<4x64x128xf32, #tpu.memory_space<vmem>> -> memref<1x64x128xf32, #tpu.memory_space<vmem>>
        %get3A_539 = tpu.memref_squeeze %get3A_538 : memref<1x64x128xf32, #tpu.memory_space<vmem>> -> memref<64x128xf32, #tpu.memory_space<vmem>>
        %get3A_540 = arith.index_cast %scan3A_459 : i32 to index
        %get3A_541 = arith.constant 48 : index
        %get3A_542 = tpu.vector_load %get3A_539[%get3A_540, %get3A_541] {strides = array<i32>} : memref<64x128xf32, #tpu.memory_space<vmem>>, vector<16xf32>,
        %mul3A_543 = arith.mulf %get3A_535, %get3A_542 : vector<16xf32>
        %get3A_544 = arith.constant 0 : i32
        %get3A_545 = arith.constant 0 : i32
        %get3A_546 = tpu.memref_slice %arg13[%rem3A_214, %get3A_544, %get3A_545] : memref<4x64x128xf32, #tpu.memory_space<vmem>> -> memref<1x64x128xf32, #tpu.memory_space<vmem>>
        %get3A_547 = tpu.memref_squeeze %get3A_546 : memref<1x64x128xf32, #tpu.memory_space<vmem>> -> memref<64x128xf32, #tpu.memory_space<vmem>>
        %get3A_548 = arith.index_cast %scan3A_459 : i32 to index
        %get3A_549 = arith.constant 48 : index
        %get3A_550 = tpu.vector_load %get3A_547[%get3A_548, %get3A_549] {strides = array<i32>} : memref<64x128xf32, #tpu.memory_space<vmem>>, vector<16xf32>,
        %mul3A_551 = arith.mulf %mul3A_543, %get3A_550 : vector<16xf32>
        %get3A_552 = arith.constant 0 : i32
        %get3A_553 = arith.constant 0 : i32
        %get3A_554 = tpu.memref_slice %arg11[%rem3A_214, %get3A_552, %get3A_553] : memref<4x64x128xf32, #tpu.memory_space<vmem>> -> memref<1x64x128xf32, #tpu.memory_space<vmem>>
        %get3A_555 = tpu.memref_squeeze %get3A_554 : memref<1x64x128xf32, #tpu.memory_space<vmem>> -> memref<64x128xf32, #tpu.memory_space<vmem>>
        %get3A_556 = arith.index_cast %scan3A_459 : i32 to index
        %get3A_557 = arith.constant 64 : index
        %get3A_558 = tpu.vector_load %get3A_555[%get3A_556, %get3A_557] {strides = array<i32>} : memref<64x128xf32, #tpu.memory_space<vmem>>, vector<16xf32>,
        %get3A_559 = arith.constant 0 : i32
        %get3A_560 = arith.constant 0 : i32
        %get3A_561 = tpu.memref_slice %arg12[%rem3A_214, %get3A_559, %get3A_560] : memref<4x64x128xf32, #tpu.memory_space<vmem>> -> memref<1x64x128xf32, #tpu.memory_space<vmem>>
        %get3A_562 = tpu.memref_squeeze %get3A_561 : memref<1x64x128xf32, #tpu.memory_space<vmem>> -> memref<64x128xf32, #tpu.memory_space<vmem>>
        %get3A_563 = arith.index_cast %scan3A_459 : i32 to index
        %get3A_564 = arith.constant 64 : index
        %get3A_565 = tpu.vector_load %get3A_562[%get3A_563, %get3A_564] {strides = array<i32>} : memref<64x128xf32, #tpu.memory_space<vmem>>, vector<16xf32>,
        %mul3A_566 = arith.mulf %get3A_558, %get3A_565 : vector<16xf32>
        %get3A_567 = arith.constant 0 : i32
        %get3A_568 = arith.constant 0 : i32
        %get3A_569 = tpu.memref_slice %arg13[%rem3A_214, %get3A_567, %get3A_568] : memref<4x64x128xf32, #tpu.memory_space<vmem>> -> memref<1x64x128xf32, #tpu.memory_space<vmem>>
        %get3A_570 = tpu.memref_squeeze %get3A_569 : memref<1x64x128xf32, #tpu.memory_space<vmem>> -> memref<64x128xf32, #tpu.memory_space<vmem>>
        %get3A_571 = arith.index_cast %scan3A_459 : i32 to index
        %get3A_572 = arith.constant 64 : index
        %get3A_573 = tpu.vector_load %get3A_570[%get3A_571, %get3A_572] {strides = array<i32>} : memref<64x128xf32, #tpu.memory_space<vmem>>, vector<16xf32>,
        %mul3A_574 = arith.mulf %mul3A_566, %get3A_573 : vector<16xf32>
        %get3A_575 = arith.constant 0 : i32
        %get3A_576 = arith.constant 0 : i32
        %get3A_577 = tpu.memref_slice %arg11[%rem3A_214, %get3A_575, %get3A_576] : memref<4x64x128xf32, #tpu.memory_space<vmem>> -> memref<1x64x128xf32, #tpu.memory_space<vmem>>
        %get3A_578 = tpu.memref_squeeze %get3A_577 : memref<1x64x128xf32, #tpu.memory_space<vmem>> -> memref<64x128xf32, #tpu.memory_space<vmem>>
        %get3A_579 = arith.index_cast %scan3A_459 : i32 to index
        %get3A_580 = arith.constant 80 : index
        %get3A_581 = tpu.vector_load %get3A_578[%get3A_579, %get3A_580] {strides = array<i32>} : memref<64x128xf32, #tpu.memory_space<vmem>>, vector<16xf32>,
        %get3A_582 = arith.constant 0 : i32
        %get3A_583 = arith.constant 0 : i32
        %get3A_584 = tpu.memref_slice %arg12[%rem3A_214, %get3A_582, %get3A_583] : memref<4x64x128xf32, #tpu.memory_space<vmem>> -> memref<1x64x128xf32, #tpu.memory_space<vmem>>
        %get3A_585 = tpu.memref_squeeze %get3A_584 : memref<1x64x128xf32, #tpu.memory_space<vmem>> -> memref<64x128xf32, #tpu.memory_space<vmem>>
        %get3A_586 = arith.index_cast %scan3A_459 : i32 to index
        %get3A_587 = arith.constant 80 : index
        %get3A_588 = tpu.vector_load %get3A_585[%get3A_586, %get3A_587] {strides = array<i32>} : memref<64x128xf32, #tpu.memory_space<vmem>>, vector<16xf32>,
        %mul3A_589 = arith.mulf %get3A_581, %get3A_588 : vector<16xf32>
        %get3A_590 = arith.constant 0 : i32
        %get3A_591 = arith.constant 0 : i32
        %get3A_592 = tpu.memref_slice %arg13[%rem3A_214, %get3A_590, %get3A_591] : memref<4x64x128xf32, #tpu.memory_space<vmem>> -> memref<1x64x128xf32, #tpu.memory_space<vmem>>
        %get3A_593 = tpu.memref_squeeze %get3A_592 : memref<1x64x128xf32, #tpu.memory_space<vmem>> -> memref<64x128xf32, #tpu.memory_space<vmem>>
        %get3A_594 = arith.index_cast %scan3A_459 : i32 to index
        %get3A_595 = arith.constant 80 : index
        %get3A_596 = tpu.vector_load %get3A_593[%get3A_594, %get3A_595] {strides = array<i32>} : memref<64x128xf32, #tpu.memory_space<vmem>>, vector<16xf32>,
        %mul3A_597 = arith.mulf %mul3A_589, %get3A_596 : vector<16xf32>
        %get3A_598 = arith.constant 0 : i32
        %get3A_599 = arith.constant 0 : i32
        %get3A_600 = tpu.memref_slice %arg11[%rem3A_214, %get3A_598, %get3A_599] : memref<4x64x128xf32, #tpu.memory_space<vmem>> -> memref<1x64x128xf32, #tpu.memory_space<vmem>>
        %get3A_601 = tpu.memref_squeeze %get3A_600 : memref<1x64x128xf32, #tpu.memory_space<vmem>> -> memref<64x128xf32, #tpu.memory_space<vmem>>
        %get3A_602 = arith.index_cast %scan3A_459 : i32 to index
        %get3A_603 = arith.constant 96 : index
        %get3A_604 = tpu.vector_load %get3A_601[%get3A_602, %get3A_603] {strides = array<i32>} : memref<64x128xf32, #tpu.memory_space<vmem>>, vector<16xf32>,
        %get3A_605 = arith.constant 0 : i32
        %get3A_606 = arith.constant 0 : i32
        %get3A_607 = tpu.memref_slice %arg12[%rem3A_214, %get3A_605, %get3A_606] : memref<4x64x128xf32, #tpu.memory_space<vmem>> -> memref<1x64x128xf32, #tpu.memory_space<vmem>>
        %get3A_608 = tpu.memref_squeeze %get3A_607 : memref<1x64x128xf32, #tpu.memory_space<vmem>> -> memref<64x128xf32, #tpu.memory_space<vmem>>
        %get3A_609 = arith.index_cast %scan3A_459 : i32 to index
        %get3A_610 = arith.constant 96 : index
        %get3A_611 = tpu.vector_load %get3A_608[%get3A_609, %get3A_610] {strides = array<i32>} : memref<64x128xf32, #tpu.memory_space<vmem>>, vector<16xf32>,
        %mul3A_612 = arith.mulf %get3A_604, %get3A_611 : vector<16xf32>
        %get3A_613 = arith.constant 0 : i32
        %get3A_614 = arith.constant 0 : i32
        %get3A_615 = tpu.memref_slice %arg13[%rem3A_214, %get3A_613, %get3A_614] : memref<4x64x128xf32, #tpu.memory_space<vmem>> -> memref<1x64x128xf32, #tpu.memory_space<vmem>>
        %get3A_616 = tpu.memref_squeeze %get3A_615 : memref<1x64x128xf32, #tpu.memory_space<vmem>> -> memref<64x128xf32, #tpu.memory_space<vmem>>
        %get3A_617 = arith.index_cast %scan3A_459 : i32 to index
        %get3A_618 = arith.constant 96 : index
        %get3A_619 = tpu.vector_load %get3A_616[%get3A_617, %get3A_618] {strides = array<i32>} : memref<64x128xf32, #tpu.memory_space<vmem>>, vector<16xf32>,
        %mul3A_620 = arith.mulf %mul3A_612, %get3A_619 : vector<16xf32>
        %get3A_621 = arith.constant 0 : i32
        %get3A_622 = arith.constant 0 : i32
        %get3A_623 = tpu.memref_slice %arg11[%rem3A_214, %get3A_621, %get3A_622] : memref<4x64x128xf32, #tpu.memory_space<vmem>> -> memref<1x64x128xf32, #tpu.memory_space<vmem>>
        %get3A_624 = tpu.memref_squeeze %get3A_623 : memref<1x64x128xf32, #tpu.memory_space<vmem>> -> memref<64x128xf32, #tpu.memory_space<vmem>>
        %get3A_625 = arith.index_cast %scan3A_459 : i32 to index
        %get3A_626 = arith.constant 112 : index
        %get3A_627 = tpu.vector_load %get3A_624[%get3A_625, %get3A_626] {strides = array<i32>} : memref<64x128xf32, #tpu.memory_space<vmem>>, vector<16xf32>,
        %get3A_628 = arith.constant 0 : i32
        %get3A_629 = arith.constant 0 : i32
        %get3A_630 = tpu.memref_slice %arg12[%rem3A_214, %get3A_628, %get3A_629] : memref<4x64x128xf32, #tpu.memory_space<vmem>> -> memref<1x64x128xf32, #tpu.memory_space<vmem>>
        %get3A_631 = tpu.memref_squeeze %get3A_630 : memref<1x64x128xf32, #tpu.memory_space<vmem>> -> memref<64x128xf32, #tpu.memory_space<vmem>>
        %get3A_632 = arith.index_cast %scan3A_459 : i32 to index
        %get3A_633 = arith.constant 112 : index
        %get3A_634 = tpu.vector_load %get3A_631[%get3A_632, %get3A_633] {strides = array<i32>} : memref<64x128xf32, #tpu.memory_space<vmem>>, vector<16xf32>,
        %mul3A_635 = arith.mulf %get3A_627, %get3A_634 : vector<16xf32>
        %get3A_636 = arith.constant 0 : i32
        %get3A_637 = arith.constant 0 : i32
        %get3A_638 = tpu.memref_slice %arg13[%rem3A_214, %get3A_636, %get3A_637] : memref<4x64x128xf32, #tpu.memory_space<vmem>> -> memref<1x64x128xf32, #tpu.memory_space<vmem>>
        %get3A_639 = tpu.memref_squeeze %get3A_638 : memref<1x64x128xf32, #tpu.memory_space<vmem>> -> memref<64x128xf32, #tpu.memory_space<vmem>>
        %get3A_640 = arith.index_cast %scan3A_459 : i32 to index
        %get3A_641 = arith.constant 112 : index
        %get3A_642 = tpu.vector_load %get3A_639[%get3A_640, %get3A_641] {strides = array<i32>} : memref<64x128xf32, #tpu.memory_space<vmem>>, vector<16xf32>,
        %mul3A_643 = arith.mulf %mul3A_635, %get3A_642 : vector<16xf32>
        %add3A_644 = arith.addf %mul3A_482, %mul3A_505 : vector<16xf32>
        %add3A_645 = arith.addf %mul3A_528, %mul3A_551 : vector<16xf32>
        %add3A_646 = arith.addf %mul3A_574, %mul3A_597 : vector<16xf32>
        %add3A_647 = arith.addf %mul3A_620, %mul3A_643 : vector<16xf32>
        %add3A_648 = arith.addf %add3A_644, %add3A_645 : vector<16xf32>
        %add3A_649 = arith.addf %add3A_646, %add3A_647 : vector<16xf32>
        %add3A_650 = arith.addf %add3A_648, %add3A_649 : vector<16xf32>
        %mul3A_651 = arith.constant 16 : i32
        %mul3A_652 = arith.muli %scan3A_459, %mul3A_651 : i32
        %swap3A_653 = arith.index_cast %mul3A_652 : i32 to index
        %swap3A_654 = tpu.vector_load %arg14[%swap3A_653] {strides = array<i32>} : memref<1024xf32, #tpu.memory_space<vmem>>, vector<16xf32>,
        tpu.vector_store %arg14[%swap3A_653], %add3A_650 {strides = array<i32>} : memref<1024xf32, #tpu.memory_space<vmem>>, vector<16xf32>,
        %scan3A_655 = arith.constant 2 : i32
        %scan3A_656 = arith.addi %scan3A_264, %scan3A_655 : i32
        %get3A_657 = arith.constant 0 : i32
        %get3A_658 = arith.constant 0 : i32
        %get3A_659 = tpu.memref_slice %arg11[%rem3A_214, %get3A_657, %get3A_658] : memref<4x64x128xf32, #tpu.memory_space<vmem>> -> memref<1x64x128xf32, #tpu.memory_space<vmem>>
        %get3A_660 = tpu.memref_squeeze %get3A_659 : memref<1x64x128xf32, #tpu.memory_space<vmem>> -> memref<64x128xf32, #tpu.memory_space<vmem>>
        %get3A_661 = arith.index_cast %scan3A_656 : i32 to index
        %get3A_662 = arith.constant 0 : index
        %get3A_663 = tpu.vector_load %get3A_660[%get3A_661, %get3A_662] {strides = array<i32>} : memref<64x128xf32, #tpu.memory_space<vmem>>, vector<16xf32>,
        %get3A_664 = arith.constant 0 : i32
        %get3A_665 = arith.constant 0 : i32
        %get3A_666 = tpu.memref_slice %arg12[%rem3A_214, %get3A_664, %get3A_665] : memref<4x64x128xf32, #tpu.memory_space<vmem>> -> memref<1x64x128xf32, #tpu.memory_space<vmem>>
        %get3A_667 = tpu.memref_squeeze %get3A_666 : memref<1x64x128xf32, #tpu.memory_space<vmem>> -> memref<64x128xf32, #tpu.memory_space<vmem>>
        %get3A_668 = arith.index_cast %scan3A_656 : i32 to index
        %get3A_669 = arith.constant 0 : index
        %get3A_670 = tpu.vector_load %get3A_667[%get3A_668, %get3A_669] {strides = array<i32>} : memref<64x128xf32, #tpu.memory_space<vmem>>, vector<16xf32>,
        %mul3A_671 = arith.mulf %get3A_663, %get3A_670 : vector<16xf32>
        %get3A_672 = arith.constant 0 : i32
        %get3A_673 = arith.constant 0 : i32
        %get3A_674 = tpu.memref_slice %arg13[%rem3A_214, %get3A_672, %get3A_673] : memref<4x64x128xf32, #tpu.memory_space<vmem>> -> memref<1x64x128xf32, #tpu.memory_space<vmem>>
        %get3A_675 = tpu.memref_squeeze %get3A_674 : memref<1x64x128xf32, #tpu.memory_space<vmem>> -> memref<64x128xf32, #tpu.memory_space<vmem>>
        %get3A_676 = arith.index_cast %scan3A_656 : i32 to index
        %get3A_677 = arith.constant 0 : index
        %get3A_678 = tpu.vector_load %get3A_675[%get3A_676, %get3A_677] {strides = array<i32>} : memref<64x128xf32, #tpu.memory_space<vmem>>, vector<16xf32>,
        %mul3A_679 = arith.mulf %mul3A_671, %get3A_678 : vector<16xf32>
        %get3A_680 = arith.constant 0 : i32
        %get3A_681 = arith.constant 0 : i32
        %get3A_682 = tpu.memref_slice %arg11[%rem3A_214, %get3A_680, %get3A_681] : memref<4x64x128xf32, #tpu.memory_space<vmem>> -> memref<1x64x128xf32, #tpu.memory_space<vmem>>
        %get3A_683 = tpu.memref_squeeze %get3A_682 : memref<1x64x128xf32, #tpu.memory_space<vmem>> -> memref<64x128xf32, #tpu.memory_space<vmem>>
        %get3A_684 = arith.index_cast %scan3A_656 : i32 to index
        %get3A_685 = arith.constant 16 : index
        %get3A_686 = tpu.vector_load %get3A_683[%get3A_684, %get3A_685] {strides = array<i32>} : memref<64x128xf32, #tpu.memory_space<vmem>>, vector<16xf32>,
        %get3A_687 = arith.constant 0 : i32
        %get3A_688 = arith.constant 0 : i32
        %get3A_689 = tpu.memref_slice %arg12[%rem3A_214, %get3A_687, %get3A_688] : memref<4x64x128xf32, #tpu.memory_space<vmem>> -> memref<1x64x128xf32, #tpu.memory_space<vmem>>
        %get3A_690 = tpu.memref_squeeze %get3A_689 : memref<1x64x128xf32, #tpu.memory_space<vmem>> -> memref<64x128xf32, #tpu.memory_space<vmem>>
        %get3A_691 = arith.index_cast %scan3A_656 : i32 to index
        %get3A_692 = arith.constant 16 : index
        %get3A_693 = tpu.vector_load %get3A_690[%get3A_691, %get3A_692] {strides = array<i32>} : memref<64x128xf32, #tpu.memory_space<vmem>>, vector<16xf32>,
        %mul3A_694 = arith.mulf %get3A_686, %get3A_693 : vector<16xf32>
        %get3A_695 = arith.constant 0 : i32
        %get3A_696 = arith.constant 0 : i32
        %get3A_697 = tpu.memref_slice %arg13[%rem3A_214, %get3A_695, %get3A_696] : memref<4x64x128xf32, #tpu.memory_space<vmem>> -> memref<1x64x128xf32, #tpu.memory_space<vmem>>
        %get3A_698 = tpu.memref_squeeze %get3A_697 : memref<1x64x128xf32, #tpu.memory_space<vmem>> -> memref<64x128xf32, #tpu.memory_space<vmem>>
        %get3A_699 = arith.index_cast %scan3A_656 : i32 to index
        %get3A_700 = arith.constant 16 : index
        %get3A_701 = tpu.vector_load %get3A_698[%get3A_699, %get3A_700] {strides = array<i32>} : memref<64x128xf32, #tpu.memory_space<vmem>>, vector<16xf32>,
        %mul3A_702 = arith.mulf %mul3A_694, %get3A_701 : vector<16xf32>
        %get3A_703 = arith.constant 0 : i32
        %get3A_704 = arith.constant 0 : i32
        %get3A_705 = tpu.memref_slice %arg11[%rem3A_214, %get3A_703, %get3A_704] : memref<4x64x128xf32, #tpu.memory_space<vmem>> -> memref<1x64x128xf32, #tpu.memory_space<vmem>>
        %get3A_706 = tpu.memref_squeeze %get3A_705 : memref<1x64x128xf32, #tpu.memory_space<vmem>> -> memref<64x128xf32, #tpu.memory_space<vmem>>
        %get3A_707 = arith.index_cast %scan3A_656 : i32 to index
        %get3A_708 = arith.constant 32 : index
        %get3A_709 = tpu.vector_load %get3A_706[%get3A_707, %get3A_708] {strides = array<i32>} : memref<64x128xf32, #tpu.memory_space<vmem>>, vector<16xf32>,
        %get3A_710 = arith.constant 0 : i32
        %get3A_711 = arith.constant 0 : i32
        %get3A_712 = tpu.memref_slice %arg12[%rem3A_214, %get3A_710, %get3A_711] : memref<4x64x128xf32, #tpu.memory_space<vmem>> -> memref<1x64x128xf32, #tpu.memory_space<vmem>>
        %get3A_713 = tpu.memref_squeeze %get3A_712 : memref<1x64x128xf32, #tpu.memory_space<vmem>> -> memref<64x128xf32, #tpu.memory_space<vmem>>
        %get3A_714 = arith.index_cast %scan3A_656 : i32 to index
        %get3A_715 = arith.constant 32 : index
        %get3A_716 = tpu.vector_load %get3A_713[%get3A_714, %get3A_715] {strides = array<i32>} : memref<64x128xf32, #tpu.memory_space<vmem>>, vector<16xf32>,
        %mul3A_717 = arith.mulf %get3A_709, %get3A_716 : vector<16xf32>
        %get3A_718 = arith.constant 0 : i32
        %get3A_719 = arith.constant 0 : i32
        %get3A_720 = tpu.memref_slice %arg13[%rem3A_214, %get3A_718, %get3A_719] : memref<4x64x128xf32, #tpu.memory_space<vmem>> -> memref<1x64x128xf32, #tpu.memory_space<vmem>>
        %get3A_721 = tpu.memref_squeeze %get3A_720 : memref<1x64x128xf32, #tpu.memory_space<vmem>> -> memref<64x128xf32, #tpu.memory_space<vmem>>
        %get3A_722 = arith.index_cast %scan3A_656 : i32 to index
        %get3A_723 = arith.constant 32 : index
        %get3A_724 = tpu.vector_load %get3A_721[%get3A_722, %get3A_723] {strides = array<i32>} : memref<64x128xf32, #tpu.memory_space<vmem>>, vector<16xf32>,
        %mul3A_725 = arith.mulf %mul3A_717, %get3A_724 : vector<16xf32>
        %get3A_726 = arith.constant 0 : i32
        %get3A_727 = arith.constant 0 : i32
        %get3A_728 = tpu.memref_slice %arg11[%rem3A_214, %get3A_726, %get3A_727] : memref<4x64x128xf32, #tpu.memory_space<vmem>> -> memref<1x64x128xf32, #tpu.memory_space<vmem>>
        %get3A_729 = tpu.memref_squeeze %get3A_728 : memref<1x64x128xf32, #tpu.memory_space<vmem>> -> memref<64x128xf32, #tpu.memory_space<vmem>>
        %get3A_730 = arith.index_cast %scan3A_656 : i32 to index
        %get3A_731 = arith.constant 48 : index
        %get3A_732 = tpu.vector_load %get3A_729[%get3A_730, %get3A_731] {strides = array<i32>} : memref<64x128xf32, #tpu.memory_space<vmem>>, vector<16xf32>,
        %get3A_733 = arith.constant 0 : i32
        %get3A_734 = arith.constant 0 : i32
        %get3A_735 = tpu.memref_slice %arg12[%rem3A_214, %get3A_733, %get3A_734] : memref<4x64x128xf32, #tpu.memory_space<vmem>> -> memref<1x64x128xf32, #tpu.memory_space<vmem>>
        %get3A_736 = tpu.memref_squeeze %get3A_735 : memref<1x64x128xf32, #tpu.memory_space<vmem>> -> memref<64x128xf32, #tpu.memory_space<vmem>>
        %get3A_737 = arith.index_cast %scan3A_656 : i32 to index
        %get3A_738 = arith.constant 48 : index
        %get3A_739 = tpu.vector_load %get3A_736[%get3A_737, %get3A_738] {strides = array<i32>} : memref<64x128xf32, #tpu.memory_space<vmem>>, vector<16xf32>,
        %mul3A_740 = arith.mulf %get3A_732, %get3A_739 : vector<16xf32>
        %get3A_741 = arith.constant 0 : i32
        %get3A_742 = arith.constant 0 : i32
        %get3A_743 = tpu.memref_slice %arg13[%rem3A_214, %get3A_741, %get3A_742] : memref<4x64x128xf32, #tpu.memory_space<vmem>> -> memref<1x64x128xf32, #tpu.memory_space<vmem>>
        %get3A_744 = tpu.memref_squeeze %get3A_743 : memref<1x64x128xf32, #tpu.memory_space<vmem>> -> memref<64x128xf32, #tpu.memory_space<vmem>>
        %get3A_745 = arith.index_cast %scan3A_656 : i32 to index
        %get3A_746 = arith.constant 48 : index
        %get3A_747 = tpu.vector_load %get3A_744[%get3A_745, %get3A_746] {strides = array<i32>} : memref<64x128xf32, #tpu.memory_space<vmem>>, vector<16xf32>,
        %mul3A_748 = arith.mulf %mul3A_740, %get3A_747 : vector<16xf32>
        %get3A_749 = arith.constant 0 : i32
        %get3A_750 = arith.constant 0 : i32
        %get3A_751 = tpu.memref_slice %arg11[%rem3A_214, %get3A_749, %get3A_750] : memref<4x64x128xf32, #tpu.memory_space<vmem>> -> memref<1x64x128xf32, #tpu.memory_space<vmem>>
        %get3A_752 = tpu.memref_squeeze %get3A_751 : memref<1x64x128xf32, #tpu.memory_space<vmem>> -> memref<64x128xf32, #tpu.memory_space<vmem>>
        %get3A_753 = arith.index_cast %scan3A_656 : i32 to index
        %get3A_754 = arith.constant 64 : index
        %get3A_755 = tpu.vector_load %get3A_752[%get3A_753, %get3A_754] {strides = array<i32>} : memref<64x128xf32, #tpu.memory_space<vmem>>, vector<16xf32>,
        %get3A_756 = arith.constant 0 : i32
        %get3A_757 = arith.constant 0 : i32
        %get3A_758 = tpu.memref_slice %arg12[%rem3A_214, %get3A_756, %get3A_757] : memref<4x64x128xf32, #tpu.memory_space<vmem>> -> memref<1x64x128xf32, #tpu.memory_space<vmem>>
        %get3A_759 = tpu.memref_squeeze %get3A_758 : memref<1x64x128xf32, #tpu.memory_space<vmem>> -> memref<64x128xf32, #tpu.memory_space<vmem>>
        %get3A_760 = arith.index_cast %scan3A_656 : i32 to index
        %get3A_761 = arith.constant 64 : index
        %get3A_762 = tpu.vector_load %get3A_759[%get3A_760, %get3A_761] {strides = array<i32>} : memref<64x128xf32, #tpu.memory_space<vmem>>, vector<16xf32>,
        %mul3A_763 = arith.mulf %get3A_755, %get3A_762 : vector<16xf32>
        %get3A_764 = arith.constant 0 : i32
        %get3A_765 = arith.constant 0 : i32
        %get3A_766 = tpu.memref_slice %arg13[%rem3A_214, %get3A_764, %get3A_765] : memref<4x64x128xf32, #tpu.memory_space<vmem>> -> memref<1x64x128xf32, #tpu.memory_space<vmem>>
        %get3A_767 = tpu.memref_squeeze %get3A_766 : memref<1x64x128xf32, #tpu.memory_space<vmem>> -> memref<64x128xf32, #tpu.memory_space<vmem>>
        %get3A_768 = arith.index_cast %scan3A_656 : i32 to index
        %get3A_769 = arith.constant 64 : index
        %get3A_770 = tpu.vector_load %get3A_767[%get3A_768, %get3A_769] {strides = array<i32>} : memref<64x128xf32, #tpu.memory_space<vmem>>, vector<16xf32>,
        %mul3A_771 = arith.mulf %mul3A_763, %get3A_770 : vector<16xf32>
        %get3A_772 = arith.constant 0 : i32
        %get3A_773 = arith.constant 0 : i32
        %get3A_774 = tpu.memref_slice %arg11[%rem3A_214, %get3A_772, %get3A_773] : memref<4x64x128xf32, #tpu.memory_space<vmem>> -> memref<1x64x128xf32, #tpu.memory_space<vmem>>
        %get3A_775 = tpu.memref_squeeze %get3A_774 : memref<1x64x128xf32, #tpu.memory_space<vmem>> -> memref<64x128xf32, #tpu.memory_space<vmem>>
        %get3A_776 = arith.index_cast %scan3A_656 : i32 to index
        %get3A_777 = arith.constant 80 : index
        %get3A_778 = tpu.vector_load %get3A_775[%get3A_776, %get3A_777] {strides = array<i32>} : memref<64x128xf32, #tpu.memory_space<vmem>>, vector<16xf32>,
        %get3A_779 = arith.constant 0 : i32
        %get3A_780 = arith.constant 0 : i32
        %get3A_781 = tpu.memref_slice %arg12[%rem3A_214, %get3A_779, %get3A_780] : memref<4x64x128xf32, #tpu.memory_space<vmem>> -> memref<1x64x128xf32, #tpu.memory_space<vmem>>
        %get3A_782 = tpu.memref_squeeze %get3A_781 : memref<1x64x128xf32, #tpu.memory_space<vmem>> -> memref<64x128xf32, #tpu.memory_space<vmem>>
        %get3A_783 = arith.index_cast %scan3A_656 : i32 to index
        %get3A_784 = arith.constant 80 : index
        %get3A_785 = tpu.vector_load %get3A_782[%get3A_783, %get3A_784] {strides = array<i32>} : memref<64x128xf32, #tpu.memory_space<vmem>>, vector<16xf32>,
        %mul3A_786 = arith.mulf %get3A_778, %get3A_785 : vector<16xf32>
        %get3A_787 = arith.constant 0 : i32
        %get3A_788 = arith.constant 0 : i32
        %get3A_789 = tpu.memref_slice %arg13[%rem3A_214, %get3A_787, %get3A_788] : memref<4x64x128xf32, #tpu.memory_space<vmem>> -> memref<1x64x128xf32, #tpu.memory_space<vmem>>
        %get3A_790 = tpu.memref_squeeze %get3A_789 : memref<1x64x128xf32, #tpu.memory_space<vmem>> -> memref<64x128xf32, #tpu.memory_space<vmem>>
        %get3A_791 = arith.index_cast %scan3A_656 : i32 to index
        %get3A_792 = arith.constant 80 : index
        %get3A_793 = tpu.vector_load %get3A_790[%get3A_791, %get3A_792] {strides = array<i32>} : memref<64x128xf32, #tpu.memory_space<vmem>>, vector<16xf32>,
        %mul3A_794 = arith.mulf %mul3A_786, %get3A_793 : vector<16xf32>
        %get3A_795 = arith.constant 0 : i32
        %get3A_796 = arith.constant 0 : i32
        %get3A_797 = tpu.memref_slice %arg11[%rem3A_214, %get3A_795, %get3A_796] : memref<4x64x128xf32, #tpu.memory_space<vmem>> -> memref<1x64x128xf32, #tpu.memory_space<vmem>>
        %get3A_798 = tpu.memref_squeeze %get3A_797 : memref<1x64x128xf32, #tpu.memory_space<vmem>> -> memref<64x128xf32, #tpu.memory_space<vmem>>
        %get3A_799 = arith.index_cast %scan3A_656 : i32 to index
        %get3A_800 = arith.constant 96 : index
        %get3A_801 = tpu.vector_load %get3A_798[%get3A_799, %get3A_800] {strides = array<i32>} : memref<64x128xf32, #tpu.memory_space<vmem>>, vector<16xf32>,
        %get3A_802 = arith.constant 0 : i32
        %get3A_803 = arith.constant 0 : i32
        %get3A_804 = tpu.memref_slice %arg12[%rem3A_214, %get3A_802, %get3A_803] : memref<4x64x128xf32, #tpu.memory_space<vmem>> -> memref<1x64x128xf32, #tpu.memory_space<vmem>>
        %get3A_805 = tpu.memref_squeeze %get3A_804 : memref<1x64x128xf32, #tpu.memory_space<vmem>> -> memref<64x128xf32, #tpu.memory_space<vmem>>
        %get3A_806 = arith.index_cast %scan3A_656 : i32 to index
        %get3A_807 = arith.constant 96 : index
        %get3A_808 = tpu.vector_load %get3A_805[%get3A_806, %get3A_807] {strides = array<i32>} : memref<64x128xf32, #tpu.memory_space<vmem>>, vector<16xf32>,
        %mul3A_809 = arith.mulf %get3A_801, %get3A_808 : vector<16xf32>
        %get3A_810 = arith.constant 0 : i32
        %get3A_811 = arith.constant 0 : i32
        %get3A_812 = tpu.memref_slice %arg13[%rem3A_214, %get3A_810, %get3A_811] : memref<4x64x128xf32, #tpu.memory_space<vmem>> -> memref<1x64x128xf32, #tpu.memory_space<vmem>>
        %get3A_813 = tpu.memref_squeeze %get3A_812 : memref<1x64x128xf32, #tpu.memory_space<vmem>> -> memref<64x128xf32, #tpu.memory_space<vmem>>
        %get3A_814 = arith.index_cast %scan3A_656 : i32 to index
        %get3A_815 = arith.constant 96 : index
        %get3A_816 = tpu.vector_load %get3A_813[%get3A_814, %get3A_815] {strides = array<i32>} : memref<64x128xf32, #tpu.memory_space<vmem>>, vector<16xf32>,
        %mul3A_817 = arith.mulf %mul3A_809, %get3A_816 : vector<16xf32>
        %get3A_818 = arith.constant 0 : i32
        %get3A_819 = arith.constant 0 : i32
        %get3A_820 = tpu.memref_slice %arg11[%rem3A_214, %get3A_818, %get3A_819] : memref<4x64x128xf32, #tpu.memory_space<vmem>> -> memref<1x64x128xf32, #tpu.memory_space<vmem>>
        %get3A_821 = tpu.memref_squeeze %get3A_820 : memref<1x64x128xf32, #tpu.memory_space<vmem>> -> memref<64x128xf32, #tpu.memory_space<vmem>>
        %get3A_822 = arith.index_cast %scan3A_656 : i32 to index
        %get3A_823 = arith.constant 112 : index
        %get3A_824 = tpu.vector_load %get3A_821[%get3A_822, %get3A_823] {strides = array<i32>} : memref<64x128xf32, #tpu.memory_space<vmem>>, vector<16xf32>,
        %get3A_825 = arith.constant 0 : i32
        %get3A_826 = arith.constant 0 : i32
        %get3A_827 = tpu.memref_slice %arg12[%rem3A_214, %get3A_825, %get3A_826] : memref<4x64x128xf32, #tpu.memory_space<vmem>> -> memref<1x64x128xf32, #tpu.memory_space<vmem>>
        %get3A_828 = tpu.memref_squeeze %get3A_827 : memref<1x64x128xf32, #tpu.memory_space<vmem>> -> memref<64x128xf32, #tpu.memory_space<vmem>>
        %get3A_829 = arith.index_cast %scan3A_656 : i32 to index
        %get3A_830 = arith.constant 112 : index
        %get3A_831 = tpu.vector_load %get3A_828[%get3A_829, %get3A_830] {strides = array<i32>} : memref<64x128xf32, #tpu.memory_space<vmem>>, vector<16xf32>,
        %mul3A_832 = arith.mulf %get3A_824, %get3A_831 : vector<16xf32>
        %get3A_833 = arith.constant 0 : i32
        %get3A_834 = arith.constant 0 : i32
        %get3A_835 = tpu.memref_slice %arg13[%rem3A_214, %get3A_833, %get3A_834] : memref<4x64x128xf32, #tpu.memory_space<vmem>> -> memref<1x64x128xf32, #tpu.memory_space<vmem>>
        %get3A_836 = tpu.memref_squeeze %get3A_835 : memref<1x64x128xf32, #tpu.memory_space<vmem>> -> memref<64x128xf32, #tpu.memory_space<vmem>>
        %get3A_837 = arith.index_cast %scan3A_656 : i32 to index
        %get3A_838 = arith.constant 112 : index
        %get3A_839 = tpu.vector_load %get3A_836[%get3A_837, %get3A_838] {strides = array<i32>} : memref<64x128xf32, #tpu.memory_space<vmem>>, vector<16xf32>,
        %mul3A_840 = arith.mulf %mul3A_832, %get3A_839 : vector<16xf32>
        %add3A_841 = arith.addf %mul3A_679, %mul3A_702 : vector<16xf32>
        %add3A_842 = arith.addf %mul3A_725, %mul3A_748 : vector<16xf32>
        %add3A_843 = arith.addf %mul3A_771, %mul3A_794 : vector<16xf32>
        %add3A_844 = arith.addf %mul3A_817, %mul3A_840 : vector<16xf32>
        %add3A_845 = arith.addf %add3A_841, %add3A_842 : vector<16xf32>
        %add3A_846 = arith.addf %add3A_843, %add3A_844 : vector<16xf32>
        %add3A_847 = arith.addf %add3A_845, %add3A_846 : vector<16xf32>
        %mul3A_848 = arith.constant 16 : i32
        %mul3A_849 = arith.muli %scan3A_656, %mul3A_848 : i32
        %swap3A_850 = arith.index_cast %mul3A_849 : i32 to index
        %swap3A_851 = tpu.vector_load %arg14[%swap3A_850] {strides = array<i32>} : memref<1024xf32, #tpu.memory_space<vmem>>, vector<16xf32>,
        tpu.vector_store %arg14[%swap3A_850], %add3A_847 {strides = array<i32>} : memref<1024xf32, #tpu.memory_space<vmem>>, vector<16xf32>,
        %scan3A_852 = arith.constant 3 : i32
        %scan3A_853 = arith.addi %scan3A_264, %scan3A_852 : i32
        %get3A_854 = arith.constant 0 : i32
        %get3A_855 = arith.constant 0 : i32
        %get3A_856 = tpu.memref_slice %arg11[%rem3A_214, %get3A_854, %get3A_855] : memref<4x64x128xf32, #tpu.memory_space<vmem>> -> memref<1x64x128xf32, #tpu.memory_space<vmem>>
        %get3A_857 = tpu.memref_squeeze %get3A_856 : memref<1x64x128xf32, #tpu.memory_space<vmem>> -> memref<64x128xf32, #tpu.memory_space<vmem>>
        %get3A_858 = arith.index_cast %scan3A_853 : i32 to index
        %get3A_859 = arith.constant 0 : index
        %get3A_860 = tpu.vector_load %get3A_857[%get3A_858, %get3A_859] {strides = array<i32>} : memref<64x128xf32, #tpu.memory_space<vmem>>, vector<16xf32>,
        %get3A_861 = arith.constant 0 : i32
        %get3A_862 = arith.constant 0 : i32
        %get3A_863 = tpu.memref_slice %arg12[%rem3A_214, %get3A_861, %get3A_862] : memref<4x64x128xf32, #tpu.memory_space<vmem>> -> memref<1x64x128xf32, #tpu.memory_space<vmem>>
        %get3A_864 = tpu.memref_squeeze %get3A_863 : memref<1x64x128xf32, #tpu.memory_space<vmem>> -> memref<64x128xf32, #tpu.memory_space<vmem>>
        %get3A_865 = arith.index_cast %scan3A_853 : i32 to index
        %get3A_866 = arith.constant 0 : index
        %get3A_867 = tpu.vector_load %get3A_864[%get3A_865, %get3A_866] {strides = array<i32>} : memref<64x128xf32, #tpu.memory_space<vmem>>, vector<16xf32>,
        %mul3A_868 = arith.mulf %get3A_860, %get3A_867 : vector<16xf32>
        %get3A_869 = arith.constant 0 : i32
        %get3A_870 = arith.constant 0 : i32
        %get3A_871 = tpu.memref_slice %arg13[%rem3A_214, %get3A_869, %get3A_870] : memref<4x64x128xf32, #tpu.memory_space<vmem>> -> memref<1x64x128xf32, #tpu.memory_space<vmem>>
        %get3A_872 = tpu.memref_squeeze %get3A_871 : memref<1x64x128xf32, #tpu.memory_space<vmem>> -> memref<64x128xf32, #tpu.memory_space<vmem>>
        %get3A_873 = arith.index_cast %scan3A_853 : i32 to index
        %get3A_874 = arith.constant 0 : index
        %get3A_875 = tpu.vector_load %get3A_872[%get3A_873, %get3A_874] {strides = array<i32>} : memref<64x128xf32, #tpu.memory_space<vmem>>, vector<16xf32>,
        %mul3A_876 = arith.mulf %mul3A_868, %get3A_875 : vector<16xf32>
        %get3A_877 = arith.constant 0 : i32
        %get3A_878 = arith.constant 0 : i32
        %get3A_879 = tpu.memref_slice %arg11[%rem3A_214, %get3A_877, %get3A_878] : memref<4x64x128xf32, #tpu.memory_space<vmem>> -> memref<1x64x128xf32, #tpu.memory_space<vmem>>
        %get3A_880 = tpu.memref_squeeze %get3A_879 : memref<1x64x128xf32, #tpu.memory_space<vmem>> -> memref<64x128xf32, #tpu.memory_space<vmem>>
        %get3A_881 = arith.index_cast %scan3A_853 : i32 to index
        %get3A_882 = arith.constant 16 : index
        %get3A_883 = tpu.vector_load %get3A_880[%get3A_881, %get3A_882] {strides = array<i32>} : memref<64x128xf32, #tpu.memory_space<vmem>>, vector<16xf32>,
        %get3A_884 = arith.constant 0 : i32
        %get3A_885 = arith.constant 0 : i32
        %get3A_886 = tpu.memref_slice %arg12[%rem3A_214, %get3A_884, %get3A_885] : memref<4x64x128xf32, #tpu.memory_space<vmem>> -> memref<1x64x128xf32, #tpu.memory_space<vmem>>
        %get3A_887 = tpu.memref_squeeze %get3A_886 : memref<1x64x128xf32, #tpu.memory_space<vmem>> -> memref<64x128xf32, #tpu.memory_space<vmem>>
        %get3A_888 = arith.index_cast %scan3A_853 : i32 to index
        %get3A_889 = arith.constant 16 : index
        %get3A_890 = tpu.vector_load %get3A_887[%get3A_888, %get3A_889] {strides = array<i32>} : memref<64x128xf32, #tpu.memory_space<vmem>>, vector<16xf32>,
        %mul3A_891 = arith.mulf %get3A_883, %get3A_890 : vector<16xf32>
        %get3A_892 = arith.constant 0 : i32
        %get3A_893 = arith.constant 0 : i32
        %get3A_894 = tpu.memref_slice %arg13[%rem3A_214, %get3A_892, %get3A_893] : memref<4x64x128xf32, #tpu.memory_space<vmem>> -> memref<1x64x128xf32, #tpu.memory_space<vmem>>
        %get3A_895 = tpu.memref_squeeze %get3A_894 : memref<1x64x128xf32, #tpu.memory_space<vmem>> -> memref<64x128xf32, #tpu.memory_space<vmem>>
        %get3A_896 = arith.index_cast %scan3A_853 : i32 to index
        %get3A_897 = arith.constant 16 : index
        %get3A_898 = tpu.vector_load %get3A_895[%get3A_896, %get3A_897] {strides = array<i32>} : memref<64x128xf32, #tpu.memory_space<vmem>>, vector<16xf32>,
        %mul3A_899 = arith.mulf %mul3A_891, %get3A_898 : vector<16xf32>
        %get3A_900 = arith.constant 0 : i32
        %get3A_901 = arith.constant 0 : i32
        %get3A_902 = tpu.memref_slice %arg11[%rem3A_214, %get3A_900, %get3A_901] : memref<4x64x128xf32, #tpu.memory_space<vmem>> -> memref<1x64x128xf32, #tpu.memory_space<vmem>>
        %get3A_903 = tpu.memref_squeeze %get3A_902 : memref<1x64x128xf32, #tpu.memory_space<vmem>> -> memref<64x128xf32, #tpu.memory_space<vmem>>
        %get3A_904 = arith.index_cast %scan3A_853 : i32 to index
        %get3A_905 = arith.constant 32 : index
        %get3A_906 = tpu.vector_load %get3A_903[%get3A_904, %get3A_905] {strides = array<i32>} : memref<64x128xf32, #tpu.memory_space<vmem>>, vector<16xf32>,
        %get3A_907 = arith.constant 0 : i32
        %get3A_908 = arith.constant 0 : i32
        %get3A_909 = tpu.memref_slice %arg12[%rem3A_214, %get3A_907, %get3A_908] : memref<4x64x128xf32, #tpu.memory_space<vmem>> -> memref<1x64x128xf32, #tpu.memory_space<vmem>>
        %get3A_910 = tpu.memref_squeeze %get3A_909 : memref<1x64x128xf32, #tpu.memory_space<vmem>> -> memref<64x128xf32, #tpu.memory_space<vmem>>
        %get3A_911 = arith.index_cast %scan3A_853 : i32 to index
        %get3A_912 = arith.constant 32 : index
        %get3A_913 = tpu.vector_load %get3A_910[%get3A_911, %get3A_912] {strides = array<i32>} : memref<64x128xf32, #tpu.memory_space<vmem>>, vector<16xf32>,
        %mul3A_914 = arith.mulf %get3A_906, %get3A_913 : vector<16xf32>
        %get3A_915 = arith.constant 0 : i32
        %get3A_916 = arith.constant 0 : i32
        %get3A_917 = tpu.memref_slice %arg13[%rem3A_214, %get3A_915, %get3A_916] : memref<4x64x128xf32, #tpu.memory_space<vmem>> -> memref<1x64x128xf32, #tpu.memory_space<vmem>>
        %get3A_918 = tpu.memref_squeeze %get3A_917 : memref<1x64x128xf32, #tpu.memory_space<vmem>> -> memref<64x128xf32, #tpu.memory_space<vmem>>
        %get3A_919 = arith.index_cast %scan3A_853 : i32 to index
        %get3A_920 = arith.constant 32 : index
        %get3A_921 = tpu.vector_load %get3A_918[%get3A_919, %get3A_920] {strides = array<i32>} : memref<64x128xf32, #tpu.memory_space<vmem>>, vector<16xf32>,
        %mul3A_922 = arith.mulf %mul3A_914, %get3A_921 : vector<16xf32>
        %get3A_923 = arith.constant 0 : i32
        %get3A_924 = arith.constant 0 : i32
        %get3A_925 = tpu.memref_slice %arg11[%rem3A_214, %get3A_923, %get3A_924] : memref<4x64x128xf32, #tpu.memory_space<vmem>> -> memref<1x64x128xf32, #tpu.memory_space<vmem>>
        %get3A_926 = tpu.memref_squeeze %get3A_925 : memref<1x64x128xf32, #tpu.memory_space<vmem>> -> memref<64x128xf32, #tpu.memory_space<vmem>>
        %get3A_927 = arith.index_cast %scan3A_853 : i32 to index
        %get3A_928 = arith.constant 48 : index
        %get3A_929 = tpu.vector_load %get3A_926[%get3A_927, %get3A_928] {strides = array<i32>} : memref<64x128xf32, #tpu.memory_space<vmem>>, vector<16xf32>,
        %get3A_930 = arith.constant 0 : i32
        %get3A_931 = arith.constant 0 : i32
        %get3A_932 = tpu.memref_slice %arg12[%rem3A_214, %get3A_930, %get3A_931] : memref<4x64x128xf32, #tpu.memory_space<vmem>> -> memref<1x64x128xf32, #tpu.memory_space<vmem>>
        %get3A_933 = tpu.memref_squeeze %get3A_932 : memref<1x64x128xf32, #tpu.memory_space<vmem>> -> memref<64x128xf32, #tpu.memory_space<vmem>>
        %get3A_934 = arith.index_cast %scan3A_853 : i32 to index
        %get3A_935 = arith.constant 48 : index
        %get3A_936 = tpu.vector_load %get3A_933[%get3A_934, %get3A_935] {strides = array<i32>} : memref<64x128xf32, #tpu.memory_space<vmem>>, vector<16xf32>,
        %mul3A_937 = arith.mulf %get3A_929, %get3A_936 : vector<16xf32>
        %get3A_938 = arith.constant 0 : i32
        %get3A_939 = arith.constant 0 : i32
        %get3A_940 = tpu.memref_slice %arg13[%rem3A_214, %get3A_938, %get3A_939] : memref<4x64x128xf32, #tpu.memory_space<vmem>> -> memref<1x64x128xf32, #tpu.memory_space<vmem>>
        %get3A_941 = tpu.memref_squeeze %get3A_940 : memref<1x64x128xf32, #tpu.memory_space<vmem>> -> memref<64x128xf32, #tpu.memory_space<vmem>>
        %get3A_942 = arith.index_cast %scan3A_853 : i32 to index
        %get3A_943 = arith.constant 48 : index
        %get3A_944 = tpu.vector_load %get3A_941[%get3A_942, %get3A_943] {strides = array<i32>} : memref<64x128xf32, #tpu.memory_space<vmem>>, vector<16xf32>,
        %mul3A_945 = arith.mulf %mul3A_937, %get3A_944 : vector<16xf32>
        %get3A_946 = arith.constant 0 : i32
        %get3A_947 = arith.constant 0 : i32
        %get3A_948 = tpu.memref_slice %arg11[%rem3A_214, %get3A_946, %get3A_947] : memref<4x64x128xf32, #tpu.memory_space<vmem>> -> memref<1x64x128xf32, #tpu.memory_space<vmem>>
        %get3A_949 = tpu.memref_squeeze %get3A_948 : memref<1x64x128xf32, #tpu.memory_space<vmem>> -> memref<64x128xf32, #tpu.memory_space<vmem>>
        %get3A_950 = arith.index_cast %scan3A_853 : i32 to index
        %get3A_951 = arith.constant 64 : index
        %get3A_952 = tpu.vector_load %get3A_949[%get3A_950, %get3A_951] {strides = array<i32>} : memref<64x128xf32, #tpu.memory_space<vmem>>, vector<16xf32>,
        %get3A_953 = arith.constant 0 : i32
        %get3A_954 = arith.constant 0 : i32
        %get3A_955 = tpu.memref_slice %arg12[%rem3A_214, %get3A_953, %get3A_954] : memref<4x64x128xf32, #tpu.memory_space<vmem>> -> memref<1x64x128xf32, #tpu.memory_space<vmem>>
        %get3A_956 = tpu.memref_squeeze %get3A_955 : memref<1x64x128xf32, #tpu.memory_space<vmem>> -> memref<64x128xf32, #tpu.memory_space<vmem>>
        %get3A_957 = arith.index_cast %scan3A_853 : i32 to index
        %get3A_958 = arith.constant 64 : index
        %get3A_959 = tpu.vector_load %get3A_956[%get3A_957, %get3A_958] {strides = array<i32>} : memref<64x128xf32, #tpu.memory_space<vmem>>, vector<16xf32>,
        %mul3A_960 = arith.mulf %get3A_952, %get3A_959 : vector<16xf32>
        %get3A_961 = arith.constant 0 : i32
        %get3A_962 = arith.constant 0 : i32
        %get3A_963 = tpu.memref_slice %arg13[%rem3A_214, %get3A_961, %get3A_962] : memref<4x64x128xf32, #tpu.memory_space<vmem>> -> memref<1x64x128xf32, #tpu.memory_space<vmem>>
        %get3A_964 = tpu.memref_squeeze %get3A_963 : memref<1x64x128xf32, #tpu.memory_space<vmem>> -> memref<64x128xf32, #tpu.memory_space<vmem>>
        %get3A_965 = arith.index_cast %scan3A_853 : i32 to index
        %get3A_966 = arith.constant 64 : index
        %get3A_967 = tpu.vector_load %get3A_964[%get3A_965, %get3A_966] {strides = array<i32>} : memref<64x128xf32, #tpu.memory_space<vmem>>, vector<16xf32>,
        %mul3A_968 = arith.mulf %mul3A_960, %get3A_967 : vector<16xf32>
        %get3A_969 = arith.constant 0 : i32
        %get3A_970 = arith.constant 0 : i32
        %get3A_971 = tpu.memref_slice %arg11[%rem3A_214, %get3A_969, %get3A_970] : memref<4x64x128xf32, #tpu.memory_space<vmem>> -> memref<1x64x128xf32, #tpu.memory_space<vmem>>
        %get3A_972 = tpu.memref_squeeze %get3A_971 : memref<1x64x128xf32, #tpu.memory_space<vmem>> -> memref<64x128xf32, #tpu.memory_space<vmem>>
        %get3A_973 = arith.index_cast %scan3A_853 : i32 to index
        %get3A_974 = arith.constant 80 : index
        %get3A_975 = tpu.vector_load %get3A_972[%get3A_973, %get3A_974] {strides = array<i32>} : memref<64x128xf32, #tpu.memory_space<vmem>>, vector<16xf32>,
        %get3A_976 = arith.constant 0 : i32
        %get3A_977 = arith.constant 0 : i32
        %get3A_978 = tpu.memref_slice %arg12[%rem3A_214, %get3A_976, %get3A_977] : memref<4x64x128xf32, #tpu.memory_space<vmem>> -> memref<1x64x128xf32, #tpu.memory_space<vmem>>
        %get3A_979 = tpu.memref_squeeze %get3A_978 : memref<1x64x128xf32, #tpu.memory_space<vmem>> -> memref<64x128xf32, #tpu.memory_space<vmem>>
        %get3A_980 = arith.index_cast %scan3A_853 : i32 to index
        %get3A_981 = arith.constant 80 : index
        %get3A_982 = tpu.vector_load %get3A_979[%get3A_980, %get3A_981] {strides = array<i32>} : memref<64x128xf32, #tpu.memory_space<vmem>>, vector<16xf32>,
        %mul3A_983 = arith.mulf %get3A_975, %get3A_982 : vector<16xf32>
        %get3A_984 = arith.constant 0 : i32
        %get3A_985 = arith.constant 0 : i32
        %get3A_986 = tpu.memref_slice %arg13[%rem3A_214, %get3A_984, %get3A_985] : memref<4x64x128xf32, #tpu.memory_space<vmem>> -> memref<1x64x128xf32, #tpu.memory_space<vmem>>
        %get3A_987 = tpu.memref_squeeze %get3A_986 : memref<1x64x128xf32, #tpu.memory_space<vmem>> -> memref<64x128xf32, #tpu.memory_space<vmem>>
        %get3A_988 = arith.index_cast %scan3A_853 : i32 to index
        %get3A_989 = arith.constant 80 : index
        %get3A_990 = tpu.vector_load %get3A_987[%get3A_988, %get3A_989] {strides = array<i32>} : memref<64x128xf32, #tpu.memory_space<vmem>>, vector<16xf32>,
        %mul3A_991 = arith.mulf %mul3A_983, %get3A_990 : vector<16xf32>
        %get3A_992 = arith.constant 0 : i32
        %get3A_993 = arith.constant 0 : i32
        %get3A_994 = tpu.memref_slice %arg11[%rem3A_214, %get3A_992, %get3A_993] : memref<4x64x128xf32, #tpu.memory_space<vmem>> -> memref<1x64x128xf32, #tpu.memory_space<vmem>>
        %get3A_995 = tpu.memref_squeeze %get3A_994 : memref<1x64x128xf32, #tpu.memory_space<vmem>> -> memref<64x128xf32, #tpu.memory_space<vmem>>
        %get3A_996 = arith.index_cast %scan3A_853 : i32 to index
        %get3A_997 = arith.constant 96 : index
        %get3A_998 = tpu.vector_load %get3A_995[%get3A_996, %get3A_997] {strides = array<i32>} : memref<64x128xf32, #tpu.memory_space<vmem>>, vector<16xf32>,
        %get3A_999 = arith.constant 0 : i32
        %get3A_1000 = arith.constant 0 : i32
        %get3A_1001 = tpu.memref_slice %arg12[%rem3A_214, %get3A_999, %get3A_1000] : memref<4x64x128xf32, #tpu.memory_space<vmem>> -> memref<1x64x128xf32, #tpu.memory_space<vmem>>
        %get3A_1002 = tpu.memref_squeeze %get3A_1001 : memref<1x64x128xf32, #tpu.memory_space<vmem>> -> memref<64x128xf32, #tpu.memory_space<vmem>>
        %get3A_1003 = arith.index_cast %scan3A_853 : i32 to index
        %get3A_1004 = arith.constant 96 : index
        %get3A_1005 = tpu.vector_load %get3A_1002[%get3A_1003, %get3A_1004] {strides = array<i32>} : memref<64x128xf32, #tpu.memory_space<vmem>>, vector<16xf32>,
        %mul3A_1006 = arith.mulf %get3A_998, %get3A_1005 : vector<16xf32>
        %get3A_1007 = arith.constant 0 : i32
        %get3A_1008 = arith.constant 0 : i32
        %get3A_1009 = tpu.memref_slice %arg13[%rem3A_214, %get3A_1007, %get3A_1008] : memref<4x64x128xf32, #tpu.memory_space<vmem>> -> memref<1x64x128xf32, #tpu.memory_space<vmem>>
        %get3A_1010 = tpu.memref_squeeze %get3A_1009 : memref<1x64x128xf32, #tpu.memory_space<vmem>> -> memref<64x128xf32, #tpu.memory_space<vmem>>
        %get3A_1011 = arith.index_cast %scan3A_853 : i32 to index
        %get3A_1012 = arith.constant 96 : index
        %get3A_1013 = tpu.vector_load %get3A_1010[%get3A_1011, %get3A_1012] {strides = array<i32>} : memref<64x128xf32, #tpu.memory_space<vmem>>, vector<16xf32>,
        %mul3A_1014 = arith.mulf %mul3A_1006, %get3A_1013 : vector<16xf32>
        %get3A_1015 = arith.constant 0 : i32
        %get3A_1016 = arith.constant 0 : i32
        %get3A_1017 = tpu.memref_slice %arg11[%rem3A_214, %get3A_1015, %get3A_1016] : memref<4x64x128xf32, #tpu.memory_space<vmem>> -> memref<1x64x128xf32, #tpu.memory_space<vmem>>
        %get3A_1018 = tpu.memref_squeeze %get3A_1017 : memref<1x64x128xf32, #tpu.memory_space<vmem>> -> memref<64x128xf32, #tpu.memory_space<vmem>>
        %get3A_1019 = arith.index_cast %scan3A_853 : i32 to index
        %get3A_1020 = arith.constant 112 : index
        %get3A_1021 = tpu.vector_load %get3A_1018[%get3A_1019, %get3A_1020] {strides = array<i32>} : memref<64x128xf32, #tpu.memory_space<vmem>>, vector<16xf32>,
        %get3A_1022 = arith.constant 0 : i32
        %get3A_1023 = arith.constant 0 : i32
        %get3A_1024 = tpu.memref_slice %arg12[%rem3A_214, %get3A_1022, %get3A_1023] : memref<4x64x128xf32, #tpu.memory_space<vmem>> -> memref<1x64x128xf32, #tpu.memory_space<vmem>>
        %get3A_1025 = tpu.memref_squeeze %get3A_1024 : memref<1x64x128xf32, #tpu.memory_space<vmem>> -> memref<64x128xf32, #tpu.memory_space<vmem>>
        %get3A_1026 = arith.index_cast %scan3A_853 : i32 to index
        %get3A_1027 = arith.constant 112 : index
        %get3A_1028 = tpu.vector_load %get3A_1025[%get3A_1026, %get3A_1027] {strides = array<i32>} : memref<64x128xf32, #tpu.memory_space<vmem>>, vector<16xf32>,
        %mul3A_1029 = arith.mulf %get3A_1021, %get3A_1028 : vector<16xf32>
        %get3A_1030 = arith.constant 0 : i32
        %get3A_1031 = arith.constant 0 : i32
        %get3A_1032 = tpu.memref_slice %arg13[%rem3A_214, %get3A_1030, %get3A_1031] : memref<4x64x128xf32, #tpu.memory_space<vmem>> -> memref<1x64x128xf32, #tpu.memory_space<vmem>>
        %get3A_1033 = tpu.memref_squeeze %get3A_1032 : memref<1x64x128xf32, #tpu.memory_space<vmem>> -> memref<64x128xf32, #tpu.memory_space<vmem>>
        %get3A_1034 = arith.index_cast %scan3A_853 : i32 to index
        %get3A_1035 = arith.constant 112 : index
        %get3A_1036 = tpu.vector_load %get3A_1033[%get3A_1034, %get3A_1035] {strides = array<i32>} : memref<64x128xf32, #tpu.memory_space<vmem>>, vector<16xf32>,
        %mul3A_1037 = arith.mulf %mul3A_1029, %get3A_1036 : vector<16xf32>
        %add3A_1038 = arith.addf %mul3A_876, %mul3A_899 : vector<16xf32>
        %add3A_1039 = arith.addf %mul3A_922, %mul3A_945 : vector<16xf32>
        %add3A_1040 = arith.addf %mul3A_968, %mul3A_991 : vector<16xf32>
        %add3A_1041 = arith.addf %mul3A_1014, %mul3A_1037 : vector<16xf32>
        %add3A_1042 = arith.addf %add3A_1038, %add3A_1039 : vector<16xf32>
        %add3A_1043 = arith.addf %add3A_1040, %add3A_1041 : vector<16xf32>
        %add3A_1044 = arith.addf %add3A_1042, %add3A_1043 : vector<16xf32>
        %mul3A_1045 = arith.constant 16 : i32
        %mul3A_1046 = arith.muli %scan3A_853, %mul3A_1045 : i32
        %swap3A_1047 = arith.index_cast %mul3A_1046 : i32 to index
        %swap3A_1048 = tpu.vector_load %arg14[%swap3A_1047] {strides = array<i32>} : memref<1024xf32, #tpu.memory_space<vmem>>, vector<16xf32>,
        tpu.vector_store %arg14[%swap3A_1047], %add3A_1044 {strides = array<i32>} : memref<1024xf32, #tpu.memory_space<vmem>>, vector<16xf32>,
      }
      %scan3A_255 = arith.constant 64 : i32
      %scan3A_256 = arith.constant 0 : i32
      %scan3A_257 = arith.constant 0 : i32
      %scan3A_258 = arith.constant 4 : i32
      %scan3A_259 = arith.addi %scan3A_257, %scan3A_258 : i32
      %scan3A_260 = arith.constant 1 : i32
      scf.for %scan3A_264 = %scan3A_257 to %scan3A_259 step %scan3A_260  : i32 {
        %mul3A_265 = arith.constant 256 : i32
        %mul3A_266 = arith.muli %scan3A_264, %mul3A_265 : i32
        %add3A_267 = vector.broadcast %mul3A_266 : i32 to vector<16xi32>
        %add3A_268 = arith.addi %add3A_267, %mul3A_39 : vector<16xi32>
        %gather3A = tpu.vector_load_idx %arg14[%add3A_268] : memref<1024xf32, #tpu.memory_space<vmem>>[vector<16xi32>], vector<16xf32>,
        %add3A_269 = arith.constant 1 : i32
        %add3A_270 = vector.broadcast %add3A_269 : i32 to vector<16xi32>
        %add3A_271 = arith.addi %add3A_268, %add3A_270 : vector<16xi32>
        %gather3A_272 = tpu.vector_load_idx %arg14[%add3A_271] : memref<1024xf32, #tpu.memory_space<vmem>>[vector<16xi32>], vector<16xf32>,
        %add3A_273 = arith.addf %gather3A, %gather3A_272 : vector<16xf32>
        %add3A_274 = arith.constant 2 : i32
        %add3A_275 = vector.broadcast %add3A_274 : i32 to vector<16xi32>
        %add3A_276 = arith.addi %add3A_268, %add3A_275 : vector<16xi32>
        %gather3A_277 = tpu.vector_load_idx %arg14[%add3A_276] : memref<1024xf32, #tpu.memory_space<vmem>>[vector<16xi32>], vector<16xf32>,
        %add3A_278 = arith.addf %add3A_273, %gather3A_277 : vector<16xf32>
        %add3A_279 = arith.constant 3 : i32
        %add3A_280 = vector.broadcast %add3A_279 : i32 to vector<16xi32>
        %add3A_281 = arith.addi %add3A_268, %add3A_280 : vector<16xi32>
        %gather3A_282 = tpu.vector_load_idx %arg14[%add3A_281] : memref<1024xf32, #tpu.memory_space<vmem>>[vector<16xi32>], vector<16xf32>,
        %add3A_283 = arith.addf %add3A_278, %gather3A_282 : vector<16xf32>
        %add3A_284 = arith.constant 4 : i32
        %add3A_285 = vector.broadcast %add3A_284 : i32 to vector<16xi32>
        %add3A_286 = arith.addi %add3A_268, %add3A_285 : vector<16xi32>
        %gather3A_287 = tpu.vector_load_idx %arg14[%add3A_286] : memref<1024xf32, #tpu.memory_space<vmem>>[vector<16xi32>], vector<16xf32>,
        %add3A_288 = arith.addf %add3A_283, %gather3A_287 : vector<16xf32>
        %add3A_289 = arith.constant 5 : i32
        %add3A_290 = vector.broadcast %add3A_289 : i32 to vector<16xi32>
        %add3A_291 = arith.addi %add3A_268, %add3A_290 : vector<16xi32>
        %gather3A_292 = tpu.vector_load_idx %arg14[%add3A_291] : memref<1024xf32, #tpu.memory_space<vmem>>[vector<16xi32>], vector<16xf32>,
        %add3A_293 = arith.addf %add3A_288, %gather3A_292 : vector<16xf32>
        %add3A_294 = arith.constant 6 : i32
        %add3A_295 = vector.broadcast %add3A_294 : i32 to vector<16xi32>
        %add3A_296 = arith.addi %add3A_268, %add3A_295 : vector<16xi32>
        %gather3A_297 = tpu.vector_load_idx %arg14[%add3A_296] : memref<1024xf32, #tpu.memory_space<vmem>>[vector<16xi32>], vector<16xf32>,
        %add3A_298 = arith.addf %add3A_293, %gather3A_297 : vector<16xf32>
        %add3A_299 = arith.constant 7 : i32
        %add3A_300 = vector.broadcast %add3A_299 : i32 to vector<16xi32>
        %add3A_301 = arith.addi %add3A_268, %add3A_300 : vector<16xi32>
        %gather3A_302 = tpu.vector_load_idx %arg14[%add3A_301] : memref<1024xf32, #tpu.memory_space<vmem>>[vector<16xi32>], vector<16xf32>,
        %add3A_303 = arith.addf %add3A_298, %gather3A_302 : vector<16xf32>
        %add3A_304 = arith.constant 8 : i32
        %add3A_305 = vector.broadcast %add3A_304 : i32 to vector<16xi32>
        %add3A_306 = arith.addi %add3A_268, %add3A_305 : vector<16xi32>
        %gather3A_307 = tpu.vector_load_idx %arg14[%add3A_306] : memref<1024xf32, #tpu.memory_space<vmem>>[vector<16xi32>], vector<16xf32>,
        %add3A_308 = arith.addf %add3A_303, %gather3A_307 : vector<16xf32>
        %add3A_309 = arith.constant 9 : i32
        %add3A_310 = vector.broadcast %add3A_309 : i32 to vector<16xi32>
        %add3A_311 = arith.addi %add3A_268, %add3A_310 : vector<16xi32>
        %gather3A_312 = tpu.vector_load_idx %arg14[%add3A_311] : memref<1024xf32, #tpu.memory_space<vmem>>[vector<16xi32>], vector<16xf32>,
        %add3A_313 = arith.addf %add3A_308, %gather3A_312 : vector<16xf32>
        %add3A_314 = arith.constant 10 : i32
        %add3A_315 = vector.broadcast %add3A_314 : i32 to vector<16xi32>
        %add3A_316 = arith.addi %add3A_268, %add3A_315 : vector<16xi32>
        %gather3A_317 = tpu.vector_load_idx %arg14[%add3A_316] : memref<1024xf32, #tpu.memory_space<vmem>>[vector<16xi32>], vector<16xf32>,
        %add3A_318 = arith.addf %add3A_313, %gather3A_317 : vector<16xf32>
        %add3A_319 = arith.constant 11 : i32
        %add3A_320 = vector.broadcast %add3A_319 : i32 to vector<16xi32>
        %add3A_321 = arith.addi %add3A_268, %add3A_320 : vector<16xi32>
        %gather3A_322 = tpu.vector_load_idx %arg14[%add3A_321] : memref<1024xf32, #tpu.memory_space<vmem>>[vector<16xi32>], vector<16xf32>,
        %add3A_323 = arith.addf %add3A_318, %gather3A_322 : vector<16xf32>
        %add3A_324 = arith.constant 12 : i32
        %add3A_325 = vector.broadcast %add3A_324 : i32 to vector<16xi32>
        %add3A_326 = arith.addi %add3A_268, %add3A_325 : vector<16xi32>
        %gather3A_327 = tpu.vector_load_idx %arg14[%add3A_326] : memref<1024xf32, #tpu.memory_space<vmem>>[vector<16xi32>], vector<16xf32>,
        %add3A_328 = arith.addf %add3A_323, %gather3A_327 : vector<16xf32>
        %add3A_329 = arith.constant 13 : i32
        %add3A_330 = vector.broadcast %add3A_329 : i32 to vector<16xi32>
        %add3A_331 = arith.addi %add3A_268, %add3A_330 : vector<16xi32>
        %gather3A_332 = tpu.vector_load_idx %arg14[%add3A_331] : memref<1024xf32, #tpu.memory_space<vmem>>[vector<16xi32>], vector<16xf32>,
        %add3A_333 = arith.addf %add3A_328, %gather3A_332 : vector<16xf32>
        %add3A_334 = arith.constant 14 : i32
        %add3A_335 = vector.broadcast %add3A_334 : i32 to vector<16xi32>
        %add3A_336 = arith.addi %add3A_268, %add3A_335 : vector<16xi32>
        %gather3A_337 = tpu.vector_load_idx %arg14[%add3A_336] : memref<1024xf32, #tpu.memory_space<vmem>>[vector<16xi32>], vector<16xf32>,
        %add3A_338 = arith.addf %add3A_333, %gather3A_337 : vector<16xf32>
        %add3A_339 = arith.constant 15 : i32
        %add3A_340 = vector.broadcast %add3A_339 : i32 to vector<16xi32>
        %add3A_341 = arith.addi %add3A_268, %add3A_340 : vector<16xi32>
        %gather3A_342 = tpu.vector_load_idx %arg14[%add3A_341] : memref<1024xf32, #tpu.memory_space<vmem>>[vector<16xi32>], vector<16xf32>,
        %add3A_343 = arith.addf %add3A_338, %gather3A_342 : vector<16xf32>
        %mul3A_344 = arith.constant 64 : i32
        %mul3A_345 = arith.muli %scan3A_213, %mul3A_344 : i32
        %mul3A_346 = arith.constant 16 : i32
        %mul3A_347 = arith.muli %scan3A_264, %mul3A_346 : i32
        %add3A_348 = arith.addi %mul3A_345, %mul3A_347 : i32
        %swap3A = arith.index_cast %add3A_348 : i32 to index
        %swap3A_349 = tpu.vector_load %arg15[%swap3A] {strides = array<i32>} : memref<512xf32, #tpu.memory_space<vmem>>, vector<16xf32>,
        tpu.vector_store %arg15[%swap3A], %add3A_343 {strides = array<i32>} : memref<512xf32, #tpu.memory_space<vmem>>, vector<16xf32>,
      }
      %scan3A_261 = arith.constant 4 : i32
      %lt3A = arith.constant 4 : i32
      %lt3A_262 = arith.cmpi slt, %scan3A_213, %lt3A : i32
      %convert_element_type3A = arith.extui %lt3A_262 : i1 to i32
      %cond3A = arith.constant 0 : i32
      %cond3A_263 = arith.cmpi ne, %convert_element_type3A, %cond3A : i32
      scf.if %cond3A_263 {
        %add3A_264 = arith.constant 4 : i32
        %add3A_265 = arith.addi %scan3A_213, %add3A_264 : i32
        %mul3A_266 = arith.constant 64 : i32
        %mul3A_267 = arith.muli %add3A_265, %mul3A_266 : i32
        %dma_start3A_268 = arith.constant 0 : i32
        %dma_start3A_269 = arith.constant 0 : i32
        %dma_start3A_270 = arith.constant 0 : i32
        %dma_start3A_271 = tpu.memref_slice %arg11[%rem3A_214, %dma_start3A_269, %dma_start3A_270] : memref<4x64x128xf32, #tpu.memory_space<vmem>> -> memref<1x64x128xf32, #tpu.memory_space<vmem>>
        %dma_start3A_272 = tpu.memref_squeeze %dma_start3A_271 : memref<1x64x128xf32, #tpu.memory_space<vmem>> -> memref<64x128xf32, #tpu.memory_space<vmem>>
        %dma_start3A_273 = tpu.memref_slice %arg8[%mul3A_267] : memref<512xi32, #tpu.memory_space<vmem>> -> memref<64xi32, #tpu.memory_space<vmem>>
        %dma_start3A_274 = arith.constant 0 : i32
        %dma_start3A_275 = arith.constant 0 : i32
        %dma_start3A_276 = tpu.memref_slice %arg5[%dma_start3A_274, %dma_start3A_275] : memref<1000000x128xf32, #tpu.memory_space<hbm>> -> memref<1000000x128xf32, #tpu.memory_space<hbm>>
        %dma_start3A_277 = tpu.memref_slice %arg16[%rem3A_214, %dma_start3A_268] : memref<4x3x!tpu.dma_semaphore, #tpu.memory_space<semaphore_mem>> -> memref<1x1x!tpu.dma_semaphore, #tpu.memory_space<semaphore_mem>>
        %dma_start3A_278 = tpu.memref_squeeze %dma_start3A_277 : memref<1x1x!tpu.dma_semaphore, #tpu.memory_space<semaphore_mem>> -> memref<!tpu.dma_semaphore, #tpu.memory_space<semaphore_mem>>
        tpu.enqueue_indirect_dma source(%dma_start3A_276 : memref<1000000x128xf32, #tpu.memory_space<hbm>>) target(%dma_start3A_272 : memref<64x128xf32, #tpu.memory_space<vmem>>) offsets(%dma_start3A_273 : memref<64xi32, #tpu.memory_space<vmem>>) semaphore(%dma_start3A_278 : memref<!tpu.dma_semaphore, #tpu.memory_space<semaphore_mem>>)
        %dma_start3A_279 = arith.constant 1 : i32
        %dma_start3A_280 = arith.constant 0 : i32
        %dma_start3A_281 = arith.constant 0 : i32
        %dma_start3A_282 = tpu.memref_slice %arg12[%rem3A_214, %dma_start3A_280, %dma_start3A_281] : memref<4x64x128xf32, #tpu.memory_space<vmem>> -> memref<1x64x128xf32, #tpu.memory_space<vmem>>
        %dma_start3A_283 = tpu.memref_squeeze %dma_start3A_282 : memref<1x64x128xf32, #tpu.memory_space<vmem>> -> memref<64x128xf32, #tpu.memory_space<vmem>>
        %dma_start3A_284 = tpu.memref_slice %arg9[%mul3A_267] : memref<512xi32, #tpu.memory_space<vmem>> -> memref<64xi32, #tpu.memory_space<vmem>>
        %dma_start3A_285 = arith.constant 0 : i32
        %dma_start3A_286 = arith.constant 0 : i32
        %dma_start3A_287 = tpu.memref_slice %arg6[%dma_start3A_285, %dma_start3A_286] : memref<1000x128xf32, #tpu.memory_space<hbm>> -> memref<1000x128xf32, #tpu.memory_space<hbm>>
        %dma_start3A_288 = tpu.memref_slice %arg16[%rem3A_214, %dma_start3A_279] : memref<4x3x!tpu.dma_semaphore, #tpu.memory_space<semaphore_mem>> -> memref<1x1x!tpu.dma_semaphore, #tpu.memory_space<semaphore_mem>>
        %dma_start3A_289 = tpu.memref_squeeze %dma_start3A_288 : memref<1x1x!tpu.dma_semaphore, #tpu.memory_space<semaphore_mem>> -> memref<!tpu.dma_semaphore, #tpu.memory_space<semaphore_mem>>
        tpu.enqueue_indirect_dma source(%dma_start3A_287 : memref<1000x128xf32, #tpu.memory_space<hbm>>) target(%dma_start3A_283 : memref<64x128xf32, #tpu.memory_space<vmem>>) offsets(%dma_start3A_284 : memref<64xi32, #tpu.memory_space<vmem>>) semaphore(%dma_start3A_289 : memref<!tpu.dma_semaphore, #tpu.memory_space<semaphore_mem>>)
        %dma_start3A_290 = arith.constant 2 : i32
        %dma_start3A_291 = arith.constant 0 : i32
        %dma_start3A_292 = arith.constant 0 : i32
        %dma_start3A_293 = tpu.memref_slice %arg13[%rem3A_214, %dma_start3A_291, %dma_start3A_292] : memref<4x64x128xf32, #tpu.memory_space<vmem>> -> memref<1x64x128xf32, #tpu.memory_space<vmem>>
        %dma_start3A_294 = tpu.memref_squeeze %dma_start3A_293 : memref<1x64x128xf32, #tpu.memory_space<vmem>> -> memref<64x128xf32, #tpu.memory_space<vmem>>
        %dma_start3A_295 = tpu.memref_slice %arg10[%mul3A_267] : memref<512xi32, #tpu.memory_space<vmem>> -> memref<64xi32, #tpu.memory_space<vmem>>
        %dma_start3A_296 = arith.constant 0 : i32
        %dma_start3A_297 = arith.constant 0 : i32
        %dma_start3A_298 = tpu.memref_slice %arg5[%dma_start3A_296, %dma_start3A_297] : memref<1000000x128xf32, #tpu.memory_space<hbm>> -> memref<1000000x128xf32, #tpu.memory_space<hbm>>
        %dma_start3A_299 = tpu.memref_slice %arg16[%rem3A_214, %dma_start3A_290] : memref<4x3x!tpu.dma_semaphore, #tpu.memory_space<semaphore_mem>> -> memref<1x1x!tpu.dma_semaphore, #tpu.memory_space<semaphore_mem>>
        %dma_start3A_300 = tpu.memref_squeeze %dma_start3A_299 : memref<1x1x!tpu.dma_semaphore, #tpu.memory_space<semaphore_mem>> -> memref<!tpu.dma_semaphore, #tpu.memory_space<semaphore_mem>>
        tpu.enqueue_indirect_dma source(%dma_start3A_298 : memref<1000000x128xf32, #tpu.memory_space<hbm>>) target(%dma_start3A_294 : memref<64x128xf32, #tpu.memory_space<vmem>>) offsets(%dma_start3A_295 : memref<64xi32, #tpu.memory_space<vmem>>) semaphore(%dma_start3A_300 : memref<!tpu.dma_semaphore, #tpu.memory_space<semaphore_mem>>)
      } else {
      }
    }
    %scan3A_212 = arith.constant 8 : i32
    "tpu.region"() ({
      %run_scoped3A = tpu.sem_alloc : memref<!tpu.dma_semaphore, #tpu.memory_space<semaphore_mem>>
      %dma_start3A_213 = tpu.memref_slice %arg7[%mul3A_2] : memref<16384xf32, #tpu.memory_space<hbm>> -> memref<512xf32, #tpu.memory_space<hbm>>
      %dma_start3A_214 = tpu.memref_slice %arg7[%mul3A_2] : memref<16384xf32, #tpu.memory_space<hbm>> -> memref<512xf32, #tpu.memory_space<hbm>>
      tpu.enqueue_dma source(%arg15 : memref<512xf32, #tpu.memory_space<vmem>>) target(%dma_start3A_214 : memref<512xf32, #tpu.memory_space<hbm>>) target_semaphore(%run_scoped3A : memref<!tpu.dma_semaphore, #tpu.memory_space<semaphore_mem>>)
      %dma_wait3A_215 = tpu.memref_slice %arg7[%mul3A_2] : memref<16384xf32, #tpu.memory_space<hbm>> -> memref<512xf32, #tpu.memory_space<hbm>>
      %dma_wait3A_216 = tpu.memref_slice %arg7[%mul3A_2] : memref<16384xf32, #tpu.memory_space<hbm>> -> memref<512xf32, #tpu.memory_space<hbm>>
      tpu.wait_dma2 semaphore(%run_scoped3A : memref<!tpu.dma_semaphore, #tpu.memory_space<semaphore_mem>>) src(%arg15 : memref<512xf32, #tpu.memory_space<vmem>>) dst(%dma_wait3A_216 : memref<512xf32, #tpu.memory_space<hbm>>)
      tpu.yield
    }) : () -> ()
    return
  }
}

</mosaic_0001>

<sc_bundles>
// kernel: kernel.3.cloned.1.call-start
scs
__scs_entry_jumppad:
0x0: {  	(pc) =	sbr.rel $0x88, $3  }
0x1: {  	(tag) =	ssettag $0x0;
	lr =	simm.s32 $0x1  }
0x2: {  	[smem:$0x3F9C] =	sst lr;
	_ =	strace $0xD0000000  }
0x3: {  	_ = 	snop  }
0x4: {  	_ = 	snop  }
0x5: {  	_ = 	snop  }
0x6: {  	_ = 	snop  }
0x7: {  	_ = 	snop  }
__scs_overlays_trampoline_lowered:
0x8: {  	[smem:$0x3FAB] =	sst s0  }
0x9: {  	[smem:$0x3FAC] =	sst s1  }
0xa: {  	[smem:$0x3FAD] =	sst s2  }
0xb: {  	[smem:$0x3FAE] =	sst s3  }
0xc: {  	[smem:$0x3FAF] =	sst s4  }
0xd: {  	[smem:$0x3FB0] =	sst s5  }
0xe: {  	[smem:$0x3FB1] =	sst s6  }
0xf: {  	[smem:$0x3FB2] =	sst s7  }
0x10: {  	[smem:$0x3FB3] =	sst s8  }
0x11: {  	[smem:$0x3FB4] =	sst s9;
	s0 =	simm.s32 @!p0 $0x0  }
0x12: {  	s1 =	sld [smem:$0x3F9A];
	s0 =	simm.s32 @p0 $0x1  }
0x13: {  	[smem:$0x3FB5] =	sst s0;
	s0 =	simm.s32 @!p1 $0x0  }
0x14: {  	s2 =	sld [smem:$0x3F99];
	s0 =	simm.s32 @p1 $0x1  }
0x15: {  	[smem:$0x3FB6] =	sst s0;
	s0 =	simm.s32 @!p2 $0x0  }
0x16: {  	s3 =	sld [smem:$0x3FDB];
	s0 =	simm.s32 @p2 $0x1  }
0x17: {  	s4 =	simm.s32 $0x1BF5;
	[smem:$0x3FB8] =	sst s0  }
0x18: {  	s0 =	sld [smem:$0x3F9B];
	_ =	swait.ge [sflag:s4], $0x0  }
0x19: {  	s7 =	sld [smem:$0x3F9C]  }
0x1a: {  	s8 =	sadd.s32 $0xFFFFE003, lr  }
0x1b: {  	s9 =	sadd.s32 $0xFFFFFEF7, lr;
	s5 =	simm.s32 $0xFFFFFFFF;
	p2 =	slt.u32 s8, $0xFFFFF086  }
0x1c: {  	p1 =	slt.u32 s9, $0xF7A;
	s5 =	simm.s32 @!p2 $0x0  }
0x1d: {  	s5 =	simm.s32 @p1 $0x1;
	p0 =	seq.s32 s7, s2  }
0x1e: {  	s7 =	smul.u32 @!p0 $0xF7A, s2;
	p2 =	seq.s32 @!p0 s5, $0x0  }
0x1f: {  	s9 =	smul.u32 $0xF7A, s1;
	s8 =	simm.s32 @!p0 $0x1BF5;
	p2 =	por !p2, p0  }
0x20: {  	[sflag:s8] =	ssyncset.s32 @!p0 $0xFFFFF086;
	s6 =	sadd.s32 @!p0 s3, s7;
	s7 =	simm.s32 @!p0 $0x108  }
0x21: {  	s3 =	sadd.s32 s3, s9;
	s6 =	sadd.s32 @!p0 $0x88, s6;
	s7 =	simm.s32 @p2 $0x1082  }
0x22: {  	[simem:s7], [sflag:s8] =	dma.local @!p0 [hbm:s6], $0xF7A  }
0x23: {  	s9 =	sor.u32 $0xD0000000, s2;
	s6 =	simm.s32 $0x108;
	_ =	swait.ge @!p0 [sflag:s8], $0x0  }
0x24: {  	s3 =	sadd.s32 $0x88, s3;
	s6 =	simm.s32 @!p1 $0x1082;
	[sflag:s4] =	ssyncset.s32 $0xFFFFF086  }
0x25: {  	[simem:s6], [sflag:s4] =	dma.local [hbm:s3], $0xF7A  }
0x26: {  	[smem:$0x3F9C] =	sst s1;
	(tag) =	ssettag s2;
	_ =	strace s9  }
0x27: {  	s1 =	sld [smem:$0x3FAC]  }
0x28: {  	s2 =	sld [smem:$0x3FAD]  }
0x29: {  	s4 =	sld [smem:$0x3FAF]  }
0x2a: {  	p0 =	seq.s32 s5, $0x0;
	s5 =	sld [smem:$0x3FB0]  }
0x2b: {  	s6 =	sld [smem:$0x3FB1]  }
0x2c: {  	s7 =	sld [smem:$0x3FB2]  }
0x2d: {  	s3 =	simm.s32 $0x108;
	s8 =	sld [smem:$0x3FB3]  }
0x2e: {  	s3 =	simm.s32 @!p0 $0x1082;
	s9 =	sld [smem:$0x3FB4]  }
0x2f: {  	lr =	sadd.s32 s0, s3;
	s0 =	sld [smem:$0x3FAB]  }
0x30: {  	s3 =	sld [smem:$0x3FAE]  }
0x31: {  	[smem:$0x3FB7] =	sst s10  }
0x32: {  	s10 =	sld [smem:$0x3FB5];
	_ =	sdelay $0x3  }
0x33: {  	p0 =	seq.s32 s10, $0x1;
	s10 =	sld [smem:$0x3FB7];
	_ =	sdelay $0x3  }
0x34: {  	[smem:$0x3FB7] =	sst s10  }
0x35: {  	s10 =	sld [smem:$0x3FB6];
	_ =	sdelay $0x3  }
0x36: {  	p1 =	seq.s32 s10, $0x1;
	s10 =	sld [smem:$0x3FB7];
	_ =	sdelay $0x3  }
0x37: {  	[smem:$0x3FB7] =	sst s10  }
0x38: {  	s10 =	sld [smem:$0x3FB8]  }
0x39: {  	_ = 	snop;
	(pc) =	sbr.ind lr, $3  }
0x3a: {  	_ = 	snop  }
0x3b: {  	_ = 	snop  }
0x3c: {  	p2 =	seq.s32 s10, $0x1;
	s10 =	sld [smem:$0x3FB7]  }
0x3d: {  	_ =	shalt  }
0x3e: {  	_ =	shalt  }
0x3f: {  	_ =	shalt  }
0x40: {  	_ =	shalt  }
0x41: {  	_ =	shalt  }
0x42: {  	_ =	shalt  }
0x43: {  	_ =	shalt  }
0x44: {  	_ =	shalt  }
0x45: {  	_ =	shalt  }
0x46: {  	_ =	shalt  }
0x47: {  	_ =	shalt  }
0x48: {  	_ =	shalt  }
0x49: {  	_ =	shalt  }
0x4a: {  	_ =	shalt  }
0x4b: {  	_ =	shalt  }
0x4c: {  	_ =	shalt  }
0x4d: {  	_ =	shalt  }
0x4e: {  	_ =	shalt  }
0x4f: {  	_ =	shalt  }
0x50: {  	_ =	shalt  }
0x51: {  	_ =	shalt  }
0x52: {  	_ =	shalt  }
0x53: {  	_ =	shalt  }
0x54: {  	_ =	shalt  }
0x55: {  	_ =	shalt  }
0x56: {  	_ =	shalt  }
0x57: {  	_ =	shalt  }
0x58: {  	_ =	shalt  }
0x59: {  	_ =	shalt  }
0x5a: {  	_ =	shalt  }
0x5b: {  	_ =	shalt  }
0x5c: {  	_ =	shalt  }
0x5d: {  	_ =	shalt  }
0x5e: {  	_ =	shalt  }
0x5f: {  	_ =	shalt  }
0x60: {  	_ =	shalt  }
0x61: {  	_ =	shalt  }
0x62: {  	_ =	shalt  }
0x63: {  	_ =	shalt  }
0x64: {  	_ =	shalt  }
0x65: {  	_ =	shalt  }
0x66: {  	_ =	shalt  }
0x67: {  	_ =	shalt  }
0x68: {  	_ =	shalt  }
0x69: {  	_ =	shalt  }
0x6a: {  	_ =	shalt  }
0x6b: {  	_ =	shalt  }
0x6c: {  	_ =	shalt  }
0x6d: {  	_ =	shalt  }
0x6e: {  	_ =	shalt  }
0x6f: {  	_ =	shalt  }
0x70: {  	_ =	shalt  }
0x71: {  	_ =	shalt  }
0x72: {  	_ =	shalt  }
0x73: {  	_ =	shalt  }
0x74: {  	_ =	shalt  }
0x75: {  	_ =	shalt  }
0x76: {  	_ =	shalt  }
0x77: {  	_ =	shalt  }
0x78: {  	_ =	shalt  }
0x79: {  	_ =	shalt  }
0x7a: {  	_ =	shalt  }
0x7b: {  	_ =	shalt  }
0x7c: {  	_ =	shalt  }
0x7d: {  	_ =	shalt  }
0x7e: {  	_ =	shalt  }
0x7f: {  	_ =	shalt  }
0x80: {  	_ =	shalt  }
0x81: {  	_ =	shalt  }
0x82: {  	_ =	shalt  }
0x83: {  	_ =	shalt  }
0x84: {  	_ =	shalt  }
0x85: {  	_ =	shalt  }
0x86: {  	_ =	shalt  }
0x87: {  	_ =	shalt  }
.Lfunc_end0:
.L_simem_size_0:
called_computation_lowered:
.L_overlay_start_0:
0x88: {  	s2 =	sld [smem:$0x3FD9]  }
0x89: {  	s3 =	sld [smem:$0x3FFE];
	_ =	sdelay $0x1  }
0x8a: {  	s1 =	srdreg.scid  }
0x8b: {  	s0 =	sand.u32 $0x1, s1  }
0x8c: {  	s18 =	sshll.u32 s0, $0xA;
	s2 =	sadd.s32 s3, s2  }
0x8d: {  	s2 =	sadd.s32 s2, s18  }
0x8e: {  	[smem:$0x3FC3] =	sst s2  }
0x8f: {  	_ = 	snop  }
0x90: {  	s2 =	sld [smem:$0x3FC9]  }
0x91: {  	s19 =	sld [smem:$0x3FC8]  }
0x92: {  	s4 =	sld [smem:$0x3FC7]  }
0x93: {  	s5 =	sld [smem:$0x3FC6]  }
0x94: {  	s6 =	sld [smem:$0x3FC5]  }
0x95: {  	s7 =	sld [smem:$0x3FD0];
	(tm) =	ssettm $0x1  }
0x96: {  	s8 =	sld [smem:$0x3FFB];
	_ =	sdelay $0x3  }
0x97: {  	_ =	strace s8  }
0x98: {  	s8 =	sld [smem:$0x3FFC];
	_ =	sdelay $0x3  }
0x99: {  	_ =	strace s8  }
0x9a: {  	s8 =	sld [smem:$0x3FFD];
	_ =	sdelay $0x3  }
0x9b: {  	_ =	strace s8  }
0x9c: {  	_ =	strace $0x8FFFFFFF  }
0x9d: {  	s20 =	sld [smem:$0x3FDB];
	_ =	sdelay $0x1  }
0x9e: {  	s9 =	simm.s32 $_scs_section_size  }
0x9f: {  	s10 =	simm.s32 $_size__tile_overlayer_lowered;
	s11 =	simm.s32 $_tile_overlayer_lowered  }
0xa0: {  	s23 =	simm.s32 $0x1BFF;
	s22 =	sshll.u32 s11, $0x1;
	s8 =	sadd.s32 s9, s20  }
0xa1: {  	s12 =	simm.s32 $0x0;
	s21 =	sshll.u32 s10, $0x1;
	s10 =	sadd.s32 s22, s8  }
0xa2: {  	[timem:s12], [sflag:s23] =	dma.local [hbm:s10], s21  }
0xa3: {  	_ =	swait.ge [sflag:s23], s21  }
0xa4: {  	s9 =	ssub.s32 $0x0, s21;
	[sflag:s23] =	ssyncset.done $0x0  }
0xa5: {  	[sflag:s23] =	ssyncadd.s32 s9;
	_ =	sdelay $0x1  }
0xa6: {  	s24 =	simm.s32 $0x1B8B  }
0xa7: {  	_ =	swait.ge [sflag:s24], $0x1  }
0xa8: {  	[sflag:s24] =	ssyncset.done $0x0  }
0xa9: {  	s25 =	simm.s32 $0x1B8E;
	[sflag:s24] =	ssyncadd.s32 $0xFFFFFFFF  }
0xaa: {  	s26 =	simm.s32 $execute0_lowered;
	[smem:$0x3FD2] =	sst s25  }
0xab: {  	s9 =	sshll.u32 s26, $0x1;
	_ =	strace $0x80000046;
	[dreg:$0x1] =	wrdreg $0xFFFFFFFF  }
0xac: {  	s28 =	simm.s32 $_size_execute0_lowered;
	s8 =	sadd.s32 s8, s9;
	[dreg:$0x0] =	wrdreg $0x0  }
0xad: {  	s9 =	sshll.u32 s28, $0x1;
	[dreg:$0x2] =	wrdreg s8  }
0xae: {  	[dreg:$0x3] =	wrdreg s9  }
0xaf: {  	[dreg:$0x4] =	wrdreg $0xC0  }
0xb0: {  	_ =	task [dreg:s12], $0x5FFFF  }
0xb1: {  	[dreg:$0x1] =	wrdreg $0xFFFFFFFF  }
0xb2: {  	[dreg:$0x0] =	wrdreg $0x60  }
0xb3: {  	[dreg:$0x2] =	wrdreg s2  }
0xb4: {  	[dreg:$0x3] =	wrdreg s19  }
0xb5: {  	[dreg:$0x4] =	wrdreg s4  }
0xb6: {  	[dreg:$0x5] =	wrdreg s5  }
0xb7: {  	[dreg:$0x6] =	wrdreg s6  }
0xb8: {  	[dreg:$0x7] =	wrdreg s7  }
0xb9: {  	[dreg:$0x8] =	wrdreg $0x9  }
0xba: {  	_ =	task.clear_ibuf [dreg:s12], $0x9FFFF;
	_ =	strace $0x90000046  }
0xbb: {  	s29 =	simm.s32 $0x9;
	_ =	strace $0x80000048  }
0xbc: {  	_ =	swait.ge [sflag:s29], $0x1  }
0xbd: {  	[sflag:s29] =	ssyncadd.s32 $0xFFFFFFFF  }
0xbe: {  	_ =	strace $0x90000048  }
0xbf: {  	_ =	sfence  }
0xc0: {  	s30 =	sld [smem:$0x0];
	_ =	sdelay $0x2  }
0xc1: {  	s31 =	sshll.u32 s1, $0xD;
	s1 =	sshrl.u32 s1, $0x2  }
0xc2: {  	s3 =	sand.u32 $0x4000, s31;
	s1 =	sadd.s32 s1, s30  }
0xc3: {  	s0 =	sor.u32 s3, s0;
	s1 =	sshll.u32 s1, $0x11  }
0xc4: {  	s0 =	sor.u32 s1, s0  }
0xc5: {  	s0 =	sadd.s32 $0x8F2B, s0  }
0xc6: {  	[sflag:s0] =	ssyncadd.remote.s32 $0x1  }
0xc7: {  	_ =	sfence.sel $0xFFFF  }
0xc8: {  	[dreg:$0x0] =	wrdreg $0xFFFFFFFF;
	(pc) =	sbr.abs _section_cstart, $3  }
0xc9: {  	[dreg:$0x1] =	wrdreg $0xFFFFFFFF  }
0xca: {  	_ =	task.clear_ibuf [dreg:s12], $0x2FFFF;
	_ =	strace $0x9FFFFFFF  }
0xcb: {  	(tm) =	ssettm $0x7FFFFFFF  }
tec
execute0_lowered:
.L_overlay_start_1:
0x0: {  	(tag) =	ssettag $0x1  }
0x1: {  	s0 =	rddreg [dreg:$0x0]  }
0x2: {  	s3 =	rddreg [dreg:$0x1]  }
0x3: {  	s7 =	rddreg [dreg:$0x2]  }
0x4: {  	s1 =	rddreg [dreg:$0x3]  }
0x5: {  	s2 =	rddreg [dreg:$0x4]  }
0x6: {  	s8 =	rddreg [dreg:$0x5];
	s4 =	simm.s32 $0x0  }
0x7: {  	s5 =	srdreg.scid;
	s9 =	stileid.u32;
	s11 =	simm.s32 $0x400;
	v0 =	vlaneseq.u32  }
0x8: {  	s12 =	simm.s32 $0x1;
	s13 =	simm.s32 $0x2;
	s14 =	simm.s32 $0x3;
	v1 =	vand.u32 $0x7, v0;
	v0 =	vmul.u32 $0x10, v0  }
0x9: {  	s15 =	simm.s32 $0x40;
	s18 =	simm.s32 $0x16600;
	s19 =	simm.s32 $0x18600  }
0xa: {  	s20 =	simm.s32 $0x18A00;
	s21 =	simm.s32 $0xD;
	s5 =	sand.u32 $0x1, s5;
	v1 =	vmul.u32 $0x10, v1;
	v2 =	vor.u32 $0x1, v0  }
0xb: {  	s22 =	simm.s32 $0x0;
	[smem:$0x7FF] =	sst s4;
	s6 =	ssub.s32 $0x2, s5;
	v3 =	vor.u32 $0x2, v0;
	v4 =	vor.u32 $0x3, v0;
	v5 =	vor.u32 $0x4, v0  }
0xc: {  	s9 =	sshll.u32 s9, $0x7;
	s5 =	sshll.u32 s5, $0x6;
	s10 =	sshrl.u32 s6, $0x1;
	v6 =	vor.u32 $0x5, v0;
	v7 =	vor.u32 $0x6, v0;
	v8 =	vor.u32 $0x7, v0  }
0xd: {  	_ =	strace $0x80000047;
	s9 =	sor.u32 s5, s9;
	v9 =	vor.u32 $0x8, v0;
	v10 =	vor.u32 $0x9, v0;
	v11 =	vor.u32 $0xA, v0;
	s10 =	ssub.s32 s6, s10  }
0xe: {  	v12 =	vor.u32 $0xB, v0;
	v13 =	vor.u32 $0xC, v0;
	v14 =	vor.u32 $0xD, v0;
	s5 =	sadd.s32 s0, s9;
	s6 =	sadd.s32 s3, s9;
	s7 =	sadd.s32 s7, s9  }
0xf: {  	v15 =	vor.u32 $0xE, v0;
	v16 =	vor.u32 $0xF, v0;
	s8 =	sadd.s32 s8, s9;
	v1 =	vor.u32 $0xFFFFFF80, v1;
	s9 =	smax.u32 s10, $0x1;
	s10 =	simm.s32 $0x200  }
.LBB2_1:
0x10: {  	[tilespmem:s4], [sflag:$0x1] =	stream.linear.gather [hbm4b:s5+s4], $0x200, $0x38;
	[tilespmem:$0x18C00] =	vst v63  }
0x11: {  	_ = 	snop  }
0x12: {  	[tilespmem:s10], [sflag:$0x2] =	stream.linear.gather [hbm4b:s6+s4], $0x200, $0x38;
	[tilespmem:$0x18C00] =	vst v63  }
0x13: {  	_ = 	snop  }
0x14: {  	[tilespmem:s11], [sflag:$0x3] =	stream.linear.gather [hbm4b:s7+s4], $0x200, $0x38;
	[tilespmem:$0x18C00] =	vst v63  }
0x15: {  	_ =	swait.ge [sflag:s12], $0x200  }
0x16: {  	[sflag:s12] =	ssyncset.done $0x0  }
0x17: {  	[sflag:s12] =	ssyncadd.s32 $0xFFFFFE00  }
0x18: {  	_ =	swait.ge [sflag:s13], $0x200  }
0x19: {  	[sflag:s13] =	ssyncset.done $0x0  }
0x1a: {  	[sflag:s13] =	ssyncadd.s32 $0xFFFFFE00  }
0x1b: {  	_ =	swait.ge [sflag:s14], $0x200  }
0x1c: {  	[sflag:s14] =	ssyncset.done $0x0  }
0x1d: {  	s0 =	simm.s32 $0x600;
	[sflag:s14] =	ssyncadd.s32 $0xFFFFFE00  }
0x1e: {  	[tilespmem:s0], [sflag:$0x1] =	stream.indirect.gather [hbm4b:s1+s15], $0x80, s4, s15, $0xb8;
	[tilespmem:$0x18C00] =	vst v63  }
0x1f: {  	s25 =	simm.s32 $0x8600  }
0x20: {  	[tilespmem:s25], [sflag:$0x2] =	stream.indirect.gather [hbm4b:s2+s15], $0x80, s10, s15, $0xb8;
	[tilespmem:$0x18C00] =	vst v63  }
0x21: {  	s26 =	simm.s32 $0x10600  }
0x22: {  	[tilespmem:s26], [sflag:$0x3] =	stream.indirect.gather [hbm4b:s1+s15], $0x80, s11, s15, $0xb8;
	[tilespmem:$0x18C00] =	vst v63  }
0x23: {  	s28 =	simm.s32 $0x2600  }
0x24: {  	[tilespmem:s28], [sflag:$0x4] =	stream.indirect.gather [hbm4b:s1+s15], $0x80, s15, s15, $0xb8;
	[tilespmem:$0x18C00] =	vst v63  }
0x25: {  	s29 =	simm.s32 $0x240;
	s3 =	simm.s32 $0xA600  }
0x26: {  	[tilespmem:s3], [sflag:$0x5] =	stream.indirect.gather [hbm4b:s2+s15], $0x80, s29, s15, $0xb8;
	[tilespmem:$0x18C00] =	vst v63  }
0x27: {  	s30 =	simm.s32 $0x440;
	s31 =	simm.s32 $0x12600  }
0x28: {  	[tilespmem:s31], [sflag:$0x6] =	stream.indirect.gather [hbm4b:s1+s15], $0x80, s30, s15, $0xb8;
	[tilespmem:$0x18C00] =	vst v63  }
0x29: {  	s16 =	simm.s32 $0x4600;
	s3 =	simm.s32 $0x80  }
0x2a: {  	[tilespmem:s16], [sflag:$0x7] =	stream.indirect.gather [hbm4b:s1+s15], $0x80, s3, s15, $0xb8;
	[tilespmem:$0x18C00] =	vst v63  }
0x2b: {  	s17 =	simm.s32 $0x280;
	s23 =	simm.s32 $0xC600  }
0x2c: {  	[tilespmem:s23], [sflag:$0x8] =	stream.indirect.gather [hbm4b:s2+s15], $0x80, s17, s15, $0xb8;
	[tilespmem:$0x18C00] =	vst v63  }
0x2d: {  	s24 =	simm.s32 $0x480;
	s25 =	simm.s32 $0x14600  }
0x2e: {  	[tilespmem:s25], [sflag:$0x9] =	stream.indirect.gather [hbm4b:s1+s15], $0x80, s24, s15, $0xb8;
	[tilespmem:$0x18C00] =	vst v63  }
0x2f: {  	s26 =	simm.s32 $0xC0;
	s28 =	simm.s32 $0x6600  }
0x30: {  	[tilespmem:s28], [sflag:$0xA] =	stream.indirect.gather [hbm4b:s1+s15], $0x80, s26, s15, $0xb8;
	[tilespmem:$0x18C00] =	vst v63  }
0x31: {  	s29 =	simm.s32 $0x2C0;
	s30 =	simm.s32 $0xE600;
	s31 =	simm.s32 $0x4C0  }
0x32: {  	[tilespmem:s30], [sflag:$0xB] =	stream.indirect.gather [hbm4b:s2+s15], $0x80, s29, s15, $0xb8;
	[tilespmem:$0x18C00] =	vst v63  }
0x33: {  	s23 =	simm.s32 $0x18A00;
	s24 =	simm.s32 $0x0;
	s25 =	simm.s32 $0x0  }
0x34: {  	[tilespmem:s18], [sflag:$0xC] =	stream.indirect.gather [hbm4b:s1+s15], $0x80, s31, s15, $0xb8;
	[tilespmem:$0x18C00] =	vst v63  }
.LBB2_2:
0x35: {  	s0 =	sand.u32 $0x3, s25  }
0x36: {  	s0 =	smul.u32 $0xC, s0;
	_ =	sdelay $0x1  }
0x37: {  	s0 =	sshrl.u32 s0, $0x2  }
0x38: {  	s26 =	sadd.s32 $0x1, s0  }
0x39: {  	_ =	swait.ge [sflag:s26], $0x2000  }
0x3a: {  	[sflag:s26] =	ssyncset.done $0x0  }
0x3b: {  	s28 =	sadd.s32 $0x2, s0;
	[sflag:s26] =	ssyncadd.s32 $0xFFFFE000  }
0x3c: {  	_ =	swait.ge [sflag:s28], $0x2000  }
0x3d: {  	[sflag:s28] =	ssyncset.done $0x0  }
0x3e: {  	s3 =	sshll.u32 s24, $0xD;
	s29 =	sadd.s32 $0x3, s0;
	[sflag:s28] =	ssyncadd.s32 $0xFFFFE000  }
0x3f: {  	s16 =	simm.s32 $0x18620;
	s3 =	sand.u32 $0x6000, s3;
	_ =	swait.ge [sflag:s29], $0x2000  }
0x40: {  	s30 =	sor.u32 $0x700, s3;
	s31 =	sor.u32 $0x8700, s3;
	[sflag:s29] =	ssyncset.done $0x0  }
0x41: {  	s0 =	sor.u32 $0x10700, s3;
	s3 =	simm.s32 $0xFFFFFFFC;
	[sflag:s29] =	ssyncadd.s32 $0xFFFFE000  }
.LBB2_3:
0x42: {  	v17 =	vld [tilespmem:s30+$0xFFFFFF00]  }
0x43: {  	v18 =	vld [tilespmem:s31+$0xFFFFFF00]  }
0x44: {  	v19 =	vld [tilespmem:s0+$0xFFFFFF00]  }
0x45: {  	v20 =	vld [tilespmem:s30+$0xFFFFFF10]  }
0x46: {  	v21 =	vld [tilespmem:s31+$0xFFFFFF10]  }
0x47: {  	v22 =	vld [tilespmem:s0+$0xFFFFFF10]  }
0x48: {  	v23 =	vld [tilespmem:s30+$0xFFFFFF20]  }
0x49: {  	v24 =	vld [tilespmem:s31+$0xFFFFFF20]  }
0x4a: {  	v25 =	vld [tilespmem:s0+$0xFFFFFF20]  }
0x4b: {  	v26 =	vld [tilespmem:s30+$0xFFFFFF30]  }
0x4c: {  	v27 =	vld [tilespmem:s31+$0xFFFFFF30]  }
0x4d: {  	v28 =	vld [tilespmem:s0+$0xFFFFFF30]  }
0x4e: {  	v29 =	vld [tilespmem:s30+$0xFFFFFF40]  }
0x4f: {  	v30 =	vld [tilespmem:s31+$0xFFFFFF40]  }
0x50: {  	v31 =	vld [tilespmem:s0+$0xFFFFFF40]  }
0x51: {  	v32 =	vld [tilespmem:s30+$0xFFFFFF50]  }
0x52: {  	v33 =	vld [tilespmem:s31+$0xFFFFFF50]  }
0x53: {  	v35 =	vld [tilespmem:s30+$0xFFFFFF60]  }
0x54: {  	v36 =	vld [tilespmem:s31+$0xFFFFFF60]  }
0x55: {  	v37 =	vld [tilespmem:s30+$0xFFFFFF70]  }
0x56: {  	v46 =	vld [tilespmem:s31+$0xFFFFFF70]  }
0x57: {  	v34 =	vld [tilespmem:s0+$0xFFFFFF50];
	v17 =	vmul.f32 v18, v17;
	v18 =	vmul.f32 v21, v20  }
0x58: {  	v49 =	vld [tilespmem:s0+$0xFFFFFF60];
	v47 =	vmul.f32 v24, v23;
	v48 =	vmul.f32 v27, v26  }
0x59: {  	v51 =	vmul.f32 v30, v29;
	v17 =	vmul.f32 v19, v17;
	v19 =	vld [tilespmem:s0+$0xFFFFFF70]  }
0x5a: {  	v52 =	vmul.f32 v33, v32;
	v53 =	vmul.f32 v36, v35  }
0x5b: {  	v20 =	vmul.f32 v46, v37;
	v18 =	vmul.f32 v22, v18  }
0x5c: {  	v21 =	vmul.f32 v25, v47;
	v50 =	vmul.f32 v28, v48  }
0x5d: {  	v23 =	vmul.f32 v31, v51;
	v25 =	vmul.f32 v34, v52  }
0x5e: {  	v24 =	vmul.f32 v49, v53;
	v19 =	vmul.f32 v19, v20  }
0x5f: {  	v17 =	vadd.f32 v18, v17;
	v18 =	vadd.f32 v50, v21  }
0x60: {  	v54 =	vadd.f32 v25, v23;
	v19 =	vadd.f32 v19, v24;
	_ =	sdelay $0x1  }
0x61: {  	v17 =	vadd.f32 v18, v17;
	v18 =	vadd.f32 v19, v54;
	_ =	sdelay $0x1  }
0x62: {  	v17 =	vadd.f32 v18, v17;
	_ =	sdelay $0x1  }
0x63: {  	[tilespmem:s16+$0xFFFFFFE0] =	vst v17  }
0x64: {  	v17 =	vld [tilespmem:s30+$0xFFFFFF80]  }
0x65: {  	v18 =	vld [tilespmem:s31+$0xFFFFFF80]  }
0x66: {  	v19 =	vld [tilespmem:s0+$0xFFFFFF80]  }
0x67: {  	v55 =	vld [tilespmem:s30+$0xFFFFFF90]  }
0x68: {  	v56 =	vld [tilespmem:s31+$0xFFFFFF90]  }
0x69: {  	v57 =	vld [tilespmem:s0+$0xFFFFFF90]  }
0x6a: {  	v58 =	vld [tilespmem:s30+$0xFFFFFFA0]  }
0x6b: {  	v59 =	vld [tilespmem:s31+$0xFFFFFFA0]  }
0x6c: {  	v60 =	vld [tilespmem:s0+$0xFFFFFFA0]  }
0x6d: {  	v61 =	vld [tilespmem:s30+$0xFFFFFFB0]  }
0x6e: {  	v62 =	vld [tilespmem:s31+$0xFFFFFFB0]  }
0x6f: {  	v63 =	vld [tilespmem:s0+$0xFFFFFFB0]  }
0x70: {  	v40 =	vld [tilespmem:s30+$0xFFFFFFC0]  }
0x71: {  	v41 =	vld [tilespmem:s31+$0xFFFFFFC0]  }
0x72: {  	v42 =	vld [tilespmem:s0+$0xFFFFFFC0]  }
0x73: {  	v43 =	vld [tilespmem:s30+$0xFFFFFFD0]  }
0x74: {  	v44 =	vld [tilespmem:s31+$0xFFFFFFD0]  }
0x75: {  	v46 =	vld [tilespmem:s30+$0xFFFFFFE0]  }
0x76: {  	v47 =	vld [tilespmem:s31+$0xFFFFFFE0]  }
0x77: {  	v48 =	vld [tilespmem:s30+$0xFFFFFFF0]  }
0x78: {  	v49 =	vld [tilespmem:s31+$0xFFFFFFF0]  }
0x79: {  	v45 =	vld [tilespmem:s0+$0xFFFFFFD0];
	v17 =	vmul.f32 v18, v17;
	v18 =	vmul.f32 v56, v55  }
0x7a: {  	v52 =	vld [tilespmem:s0+$0xFFFFFFE0];
	v50 =	vmul.f32 v59, v58;
	v51 =	vmul.f32 v62, v61  }
0x7b: {  	v54 =	vmul.f32 v41, v40;
	v17 =	vmul.f32 v19, v17;
	v19 =	vld [tilespmem:s0+$0xFFFFFFF0]  }
0x7c: {  	v55 =	vmul.f32 v44, v43;
	v56 =	vmul.f32 v47, v46  }
0x7d: {  	v20 =	vmul.f32 v49, v48;
	v18 =	vmul.f32 v57, v18  }
0x7e: {  	v21 =	vmul.f32 v60, v50;
	v53 =	vmul.f32 v63, v51  }
0x7f: {  	v23 =	vmul.f32 v42, v54;
	v25 =	vmul.f32 v45, v55  }
0x80: {  	v24 =	vmul.f32 v52, v56;
	v19 =	vmul.f32 v19, v20  }
0x81: {  	v17 =	vadd.f32 v18, v17;
	v18 =	vadd.f32 v53, v21  }
0x82: {  	v57 =	vadd.f32 v25, v23;
	v19 =	vadd.f32 v19, v24;
	_ =	sdelay $0x1  }
0x83: {  	v17 =	vadd.f32 v18, v17;
	v18 =	vadd.f32 v19, v57;
	_ =	sdelay $0x1  }
0x84: {  	v17 =	vadd.f32 v18, v17;
	_ =	sdelay $0x1  }
0x85: {  	[tilespmem:s16+$0xFFFFFFF0] =	vst v17  }
0x86: {  	v17 =	vld [tilespmem:s30+$0x0]  }
0x87: {  	v18 =	vld [tilespmem:s31+$0x0]  }
0x88: {  	v19 =	vld [tilespmem:s0+$0x0]  }
0x89: {  	v58 =	vld [tilespmem:s30+$0x10]  }
0x8a: {  	v59 =	vld [tilespmem:s31+$0x10]  }
0x8b: {  	v60 =	vld [tilespmem:s0+$0x10]  }
0x8c: {  	v61 =	vld [tilespmem:s30+$0x20]  }
0x8d: {  	v62 =	vld [tilespmem:s31+$0x20]  }
0x8e: {  	v63 =	vld [tilespmem:s0+$0x20]  }
0x8f: {  	v40 =	vld [tilespmem:s30+$0x30]  }
0x90: {  	v41 =	vld [tilespmem:s31+$0x30]  }
0x91: {  	v42 =	vld [tilespmem:s0+$0x30]  }
0x92: {  	v43 =	vld [tilespmem:s30+$0x40]  }
0x93: {  	v44 =	vld [tilespmem:s31+$0x40]  }
0x94: {  	v45 =	vld [tilespmem:s0+$0x40]  }
0x95: {  	v46 =	vld [tilespmem:s30+$0x50]  }
0x96: {  	v47 =	vld [tilespmem:s31+$0x50]  }
0x97: {  	v49 =	vld [tilespmem:s30+$0x60]  }
0x98: {  	v50 =	vld [tilespmem:s31+$0x60]  }
0x99: {  	v51 =	vld [tilespmem:s30+$0x70]  }
0x9a: {  	v52 =	vld [tilespmem:s31+$0x70]  }
0x9b: {  	v48 =	vld [tilespmem:s0+$0x50];
	v17 =	vmul.f32 v18, v17;
	v18 =	vmul.f32 v59, v58  }
0x9c: {  	v55 =	vld [tilespmem:s0+$0x60];
	v53 =	vmul.f32 v62, v61;
	v54 =	vmul.f32 v41, v40  }
0x9d: {  	v57 =	vmul.f32 v44, v43;
	v17 =	vmul.f32 v19, v17;
	v19 =	vld [tilespmem:s0+$0x70]  }
0x9e: {  	v58 =	vmul.f32 v47, v46;
	v59 =	vmul.f32 v50, v49  }
0x9f: {  	v20 =	vmul.f32 v52, v51;
	v18 =	vmul.f32 v60, v18  }
0xa0: {  	v21 =	vmul.f32 v63, v53;
	v56 =	vmul.f32 v42, v54  }
0xa1: {  	v23 =	vmul.f32 v45, v57;
	v25 =	vmul.f32 v48, v58  }
0xa2: {  	v24 =	vmul.f32 v55, v59;
	v19 =	vmul.f32 v19, v20  }
0xa3: {  	v17 =	vadd.f32 v18, v17;
	v18 =	vadd.f32 v56, v21  }
0xa4: {  	v60 =	vadd.f32 v25, v23;
	v19 =	vadd.f32 v19, v24;
	_ =	sdelay $0x1  }
0xa5: {  	v17 =	vadd.f32 v18, v17;
	v18 =	vadd.f32 v19, v60;
	_ =	sdelay $0x1  }
0xa6: {  	v17 =	vadd.f32 v18, v17;
	_ =	sdelay $0x1  }
0xa7: {  	[tilespmem:s16+$0x0] =	vst v17  }
0xa8: {  	v17 =	vld [tilespmem:s30+$0x80]  }
0xa9: {  	v18 =	vld [tilespmem:s31+$0x80]  }
0xaa: {  	v19 =	vld [tilespmem:s0+$0x80]  }
0xab: {  	v61 =	vld [tilespmem:s30+$0x90]  }
0xac: {  	v62 =	vld [tilespmem:s31+$0x90]  }
0xad: {  	v63 =	vld [tilespmem:s0+$0x90]  }
0xae: {  	v40 =	vld [tilespmem:s30+$0xA0]  }
0xaf: {  	v41 =	vld [tilespmem:s31+$0xA0]  }
0xb0: {  	v42 =	vld [tilespmem:s0+$0xA0]  }
0xb1: {  	v43 =	vld [tilespmem:s30+$0xB0]  }
0xb2: {  	v44 =	vld [tilespmem:s31+$0xB0]  }
0xb3: {  	v45 =	vld [tilespmem:s0+$0xB0]  }
0xb4: {  	v46 =	vld [tilespmem:s30+$0xC0]  }
0xb5: {  	v47 =	vld [tilespmem:s31+$0xC0]  }
0xb6: {  	v48 =	vld [tilespmem:s0+$0xC0]  }
0xb7: {  	v49 =	vld [tilespmem:s30+$0xD0]  }
0xb8: {  	v50 =	vld [tilespmem:s31+$0xD0]  }
0xb9: {  	v52 =	vld [tilespmem:s30+$0xE0]  }
0xba: {  	v53 =	vld [tilespmem:s31+$0xE0]  }
0xbb: {  	v54 =	vld [tilespmem:s30+$0xF0]  }
0xbc: {  	v55 =	vld [tilespmem:s31+$0xF0]  }
0xbd: {  	v51 =	vld [tilespmem:s0+$0xD0];
	v17 =	vmul.f32 v18, v17;
	v18 =	vmul.f32 v62, v61  }
0xbe: {  	v58 =	vld [tilespmem:s0+$0xE0];
	v56 =	vmul.f32 v41, v40;
	v57 =	vmul.f32 v44, v43  }
0xbf: {  	v60 =	vmul.f32 v47, v46;
	v17 =	vmul.f32 v19, v17;
	v19 =	vld [tilespmem:s0+$0xF0]  }
0xc0: {  	v61 =	vmul.f32 v50, v49;
	v62 =	vmul.f32 v53, v52  }
0xc1: {  	v20 =	vmul.f32 v55, v54;
	v18 =	vmul.f32 v63, v18  }
0xc2: {  	v21 =	vmul.f32 v42, v56;
	v59 =	vmul.f32 v45, v57  }
0xc3: {  	v23 =	vmul.f32 v48, v60;
	v25 =	vmul.f32 v51, v61  }
0xc4: {  	v24 =	vmul.f32 v58, v62;
	v19 =	vmul.f32 v19, v20  }
0xc5: {  	v17 =	vadd.f32 v18, v17;
	v18 =	vadd.f32 v59, v21  }
0xc6: {  	s3 =	sadd.s32 $0x4, s3;
	v63 =	vadd.f32 v25, v23;
	v19 =	vadd.f32 v19, v24  }
0xc7: {  	p0 =	slt.u32 s3, $0x3C  }
.Ltmp0:
0xc8: {  	v17 =	vadd.f32 v18, v17;
	v18 =	vadd.f32 v19, v63;
	(pc) =	sbr.rel @p0 .LBB2_3-.Ltmp0, $4  }
0xc9: {  	_ = 	snop  }
0xca: {  	v17 =	vadd.f32 v18, v17  }
0xcb: {  	s17 =	simm.s32 $0x0;
	s30 =	sadd.s32 $0x200, s30  }
0xcc: {  	s31 =	sadd.s32 $0x200, s31;
	s0 =	sadd.s32 $0x200, s0;
	[tilespmem:s16+$0x10] =	vst v17;
	s16 =	sadd.s32 $0x40, s16  }
0xcd: {  	v17 =	vor.u32 s17, v0;
	v18 =	vor.u32 s17, v2  }
0xce: {  	v17 =	vand.u32 v1, v17;
	_ =	sdelay $0x1  }
0xcf: {  	v19 =	vor.u32 s17, v3;
	_ =	sdelay $0x1  }
0xd0: {  	v20 =	vor.u32 s17, v4;
	v18 =	vld.idx.msk [tilespmem:v18+s19+$0x0], $0xffff  }
0xd1: {  	v17 =	vld.idx.msk [tilespmem:v17+s19+$0x0], $0xffff  }
0xd2: {  	v21 =	vor.u32 s17, v5  }
0xd3: {  	v19 =	vld.idx.msk [tilespmem:v19+s19+$0x0], $0xffff  }
0xd4: {  	v22 =	vor.u32 s17, v6  }
0xd5: {  	v20 =	vld.idx.msk [tilespmem:v20+s19+$0x0], $0xffff  }
0xd6: {  	v23 =	vor.u32 s17, v7;
	v17 =	vadd.f32 v18, v17  }
0xd7: {  	v18 =	vld.idx.msk [tilespmem:v21+s19+$0x0], $0xffff  }
0xd8: {  	v21 =	vor.u32 s17, v8;
	v17 =	vadd.f32 v19, v17  }
0xd9: {  	v19 =	vld.idx.msk [tilespmem:v22+s19+$0x0], $0xffff  }
0xda: {  	v22 =	vor.u32 s17, v9;
	v17 =	vadd.f32 v20, v17  }
0xdb: {  	v20 =	vld.idx.msk [tilespmem:v23+s19+$0x0], $0xffff  }
0xdc: {  	v23 =	vor.u32 s17, v10;
	v17 =	vadd.f32 v18, v17  }
0xdd: {  	v18 =	vld.idx.msk [tilespmem:v21+s19+$0x0], $0xffff  }
0xde: {  	v21 =	vor.u32 s17, v11;
	v17 =	vadd.f32 v19, v17  }
0xdf: {  	v19 =	vld.idx.msk [tilespmem:v22+s19+$0x0], $0xffff  }
0xe0: {  	v22 =	vor.u32 s17, v12;
	v17 =	vadd.f32 v20, v17  }
0xe1: {  	v20 =	vld.idx.msk [tilespmem:v23+s19+$0x0], $0xffff  }
0xe2: {  	v23 =	vor.u32 s17, v13;
	v17 =	vadd.f32 v18, v17  }
0xe3: {  	v18 =	vld.idx.msk [tilespmem:v21+s19+$0x0], $0xffff  }
0xe4: {  	v21 =	vor.u32 s17, v14;
	v17 =	vadd.f32 v19, v17  }
0xe5: {  	v19 =	vld.idx.msk [tilespmem:v22+s19+$0x0], $0xffff  }
0xe6: {  	v22 =	vor.u32 s17, v15;
	v17 =	vadd.f32 v20, v17  }
0xe7: {  	v20 =	vld.idx.msk [tilespmem:v23+s19+$0x0], $0xffff  }
0xe8: {  	v23 =	vor.u32 s17, v16;
	v17 =	vadd.f32 v18, v17  }
0xe9: {  	v18 =	vld.idx.msk [tilespmem:v21+s19+$0x0], $0xffff  }
0xea: {  	v17 =	vadd.f32 v19, v17  }
0xeb: {  	v19 =	vld.idx.msk [tilespmem:v22+s19+$0x0], $0xffff  }
0xec: {  	v17 =	vadd.f32 v20, v17  }
0xed: {  	v20 =	vld.idx.msk [tilespmem:v23+s19+$0x0], $0xffff  }
0xee: {  	v17 =	vadd.f32 v18, v17  }
0xef: {  	s3 =	simm.s32 $0x100  }
0xf0: {  	v18 =	vor.u32 s3, v0;
	v19 =	vadd.f32 v19, v17;
	v17 =	vor.u32 s3, v2  }
0xf1: {  	v18 =	vand.u32 v1, v18  }
0xf2: {  	s16 =	simm.s32 $0x200;
	s0 =	smov.u32 s23;
	v20 =	vadd.f32 v20, v19;
	v19 =	vor.u32 s3, v3  }
.LBB2_5:
0xf3: {  	p0 =	sne.s32 s16, $0x300  }
0xf4: {  	[tilespmem:s0+$0x0] =	vst v20;
	s0 =	sadd.s32 $0x10, s0;
	s17 =	smov.u32 s16;
	s16 =	sadd.s32 $0x100, s16  }
0xf5: {  	v20 =	vor.u32 s3, v4;
	v17 =	vld.idx.msk [tilespmem:v17+s19+$0x0], $0xffff  }
0xf6: {  	v18 =	vld.idx.msk [tilespmem:v18+s19+$0x0], $0xffff  }
0xf7: {  	v21 =	vor.u32 s3, v5  }
0xf8: {  	v19 =	vld.idx.msk [tilespmem:v19+s19+$0x0], $0xffff  }
0xf9: {  	v22 =	vor.u32 s3, v6  }
0xfa: {  	v20 =	vld.idx.msk [tilespmem:v20+s19+$0x0], $0xffff  }
0xfb: {  	v23 =	vor.u32 s3, v7  }
0xfc: {  	v17 =	vadd.f32 v17, v18;
	v18 =	vld.idx.msk [tilespmem:v21+s19+$0x0], $0xffff  }
0xfd: {  	v21 =	vor.u32 s3, v8  }
0xfe: {  	v17 =	vadd.f32 v19, v17;
	v19 =	vld.idx.msk [tilespmem:v22+s19+$0x0], $0xffff  }
0xff: {  	v22 =	vor.u32 s3, v9  }
0x100: {  	v17 =	vadd.f32 v20, v17;
	v20 =	vld.idx.msk [tilespmem:v23+s19+$0x0], $0xffff  }
0x101: {  	v23 =	vor.u32 s3, v10  }
0x102: {  	v17 =	vadd.f32 v18, v17;
	v18 =	vld.idx.msk [tilespmem:v21+s19+$0x0], $0xffff  }
0x103: {  	v21 =	vor.u32 s3, v11  }
0x104: {  	v17 =	vadd.f32 v19, v17;
	v19 =	vld.idx.msk [tilespmem:v22+s19+$0x0], $0xffff  }
0x105: {  	v22 =	vor.u32 s3, v12  }
0x106: {  	v17 =	vadd.f32 v20, v17;
	v20 =	vld.idx.msk [tilespmem:v23+s19+$0x0], $0xffff  }
0x107: {  	v23 =	vor.u32 s3, v13  }
0x108: {  	v17 =	vadd.f32 v18, v17;
	v18 =	vld.idx.msk [tilespmem:v21+s19+$0x0], $0xffff  }
0x109: {  	v21 =	vor.u32 s3, v14  }
0x10a: {  	v17 =	vadd.f32 v19, v17;
	v19 =	vld.idx.msk [tilespmem:v22+s19+$0x0], $0xffff  }
0x10b: {  	v22 =	vor.u32 s3, v15  }
0x10c: {  	v17 =	vadd.f32 v20, v17;
	v20 =	vld.idx.msk [tilespmem:v23+s19+$0x0], $0xffff  }
0x10d: {  	v23 =	vor.u32 s3, v16;
	s3 =	smov.u32 s17  }
0x10e: {  	v17 =	vadd.f32 v18, v17;
	v18 =	vld.idx.msk [tilespmem:v21+s19+$0x0], $0xffff;
	_ =	sdelay $0x1  }
0x10f: {  	v17 =	vadd.f32 v19, v17;
	v19 =	vld.idx.msk [tilespmem:v22+s19+$0x0], $0xffff;
	_ =	sdelay $0x1  }
0x110: {  	v17 =	vadd.f32 v20, v17;
	v20 =	vld.idx.msk [tilespmem:v23+s19+$0x0], $0xffff;
	_ =	sdelay $0x1  }
0x111: {  	v18 =	vadd.f32 v18, v17  }
.Ltmp1:
0x112: {  	(pc) =	sbr.rel @p0 .LBB2_5-.Ltmp1, $4  }
0x113: {  	v21 =	vor.u32 s3, v0;
	v17 =	vor.u32 s3, v2;
	v19 =	vadd.f32 v19, v18  }
0x114: {  	v18 =	vand.u32 v1, v21  }
0x115: {  	v20 =	vadd.f32 v20, v19  }
0x116: {  	v19 =	vor.u32 s3, v3  }
0x117: {  	_ =	sdelay $0x2  }
0x118: {  	[tilespmem:s0+$0x0] =	vst v20  }
0x119: {  	v50 =	vor.u32 s3, v4;
	v17 =	vld.idx.msk [tilespmem:v17+s19+$0x0], $0xffff  }
0x11a: {  	v18 =	vld.idx.msk [tilespmem:v18+s19+$0x0], $0xffff  }
0x11b: {  	v21 =	vor.u32 s3, v5  }
0x11c: {  	v19 =	vld.idx.msk [tilespmem:v19+s19+$0x0], $0xffff  }
0x11d: {  	v22 =	vor.u32 s3, v6  }
0x11e: {  	v20 =	vld.idx.msk [tilespmem:v50+s19+$0x0], $0xffff  }
0x11f: {  	v23 =	vor.u32 s3, v7;
	v17 =	vadd.f32 v17, v18  }
0x120: {  	v18 =	vld.idx.msk [tilespmem:v21+s19+$0x0], $0xffff  }
0x121: {  	v51 =	vor.u32 s3, v8;
	v17 =	vadd.f32 v19, v17  }
0x122: {  	v19 =	vld.idx.msk [tilespmem:v22+s19+$0x0], $0xffff  }
0x123: {  	v52 =	vor.u32 s3, v9;
	v17 =	vadd.f32 v20, v17  }
0x124: {  	v53 =	vld.idx.msk [tilespmem:v23+s19+$0x0], $0xffff  }
0x125: {  	v54 =	vor.u32 s3, v10;
	v17 =	vadd.f32 v18, v17  }
0x126: {  	v18 =	vld.idx.msk [tilespmem:v51+s19+$0x0], $0xffff  }
0x127: {  	v55 =	vor.u32 s3, v11;
	v17 =	vadd.f32 v19, v17  }
0x128: {  	v19 =	vld.idx.msk [tilespmem:v52+s19+$0x0], $0xffff  }
0x129: {  	v56 =	vor.u32 s3, v12;
	v17 =	vadd.f32 v53, v17  }
0x12a: {  	v57 =	vld.idx.msk [tilespmem:v54+s19+$0x0], $0xffff  }
0x12b: {  	v58 =	vor.u32 s3, v13;
	v17 =	vadd.f32 v18, v17  }
0x12c: {  	v18 =	vld.idx.msk [tilespmem:v55+s19+$0x0], $0xffff  }
0x12d: {  	v59 =	vor.u32 s3, v14;
	v17 =	vadd.f32 v19, v17  }
0x12e: {  	v19 =	vld.idx.msk [tilespmem:v56+s19+$0x0], $0xffff  }
0x12f: {  	v60 =	vor.u32 s3, v15;
	v17 =	vadd.f32 v57, v17  }
0x130: {  	v61 =	vld.idx.msk [tilespmem:v58+s19+$0x0], $0xffff  }
0x131: {  	v62 =	vor.u32 s3, v16;
	v17 =	vadd.f32 v18, v17  }
0x132: {  	v18 =	vld.idx.msk [tilespmem:v59+s19+$0x0], $0xffff  }
0x133: {  	v17 =	vadd.f32 v19, v17  }
0x134: {  	v19 =	vld.idx.msk [tilespmem:v60+s19+$0x0], $0xffff  }
0x135: {  	v17 =	vadd.f32 v61, v17  }
0x136: {  	v63 =	vld.idx.msk [tilespmem:v62+s19+$0x0], $0xffff  }
0x137: {  	v17 =	vadd.f32 v18, v17;
	_ =	sdelay $0x1  }
0x138: {  	v17 =	vadd.f32 v19, v17;
	_ =	sdelay $0x1  }
0x139: {  	p0 =	sgt.u32 s25, $0x3;
	v17 =	vadd.f32 v63, v17  }
0x13a: {  	s31 =	sadd.s32 $0x10, s0;
	s3 =	sshll.u32 @!p0 s25, $0x6;
	s16 =	sshll.u32 @!p0 s25, $0xD  }
0x13b: {  	s30 =	simm.s32 @!p0 $0x40;
	s0 =	sor.u32 @!p0 $0x100, s3;
	s17 =	sor.u32 @!p0 $0x600, s16;
	[tilespmem:s31+$0x0] =	vst v17  }
0x13c: {  	[tilespmem:s17], [sflag:s26] =	stream.indirect.gather @!p0 [hbm4b:s1+s30], $0x80, s0, s30, $0xb8;
	[tilespmem:$0x18C00] =	vst v63  }
0x13d: {  	s0 =	sadd.s32 @!p0 $0x8600, s16;
	s17 =	sadd.s32 @!p0 $0x300, s3  }
0x13e: {  	[tilespmem:s0], [sflag:s28] =	stream.indirect.gather @!p0 [hbm4b:s2+s30], $0x80, s17, s30, $0xb8;
	[tilespmem:$0x18C00] =	vst v63  }
0x13f: {  	s25 =	sadd.s32 $0x1, s25;
	s3 =	sadd.s32 @!p0 $0x500, s3;
	s0 =	sadd.s32 @!p0 $0x10600, s16  }
0x140: {  	[tilespmem:s0], [sflag:s29] =	stream.indirect.gather @!p0 [hbm4b:s1+s30], $0x80, s3, s30, $0xb8;
	[tilespmem:$0x18C00] =	vst v63  }
0x141: {  	p0 =	sne.s32 s25, $0x8  }
.Ltmp2:
0x142: {  	_ = 	snop;
	(pc) =	sbr.rel @p0 .LBB2_2-.Ltmp2, $2  }
0x143: {  	_ =	sdelay $0x2  }
0x144: {  	s24 =	sadd.s32 $0x1, s24;
	s23 =	sadd.s32 $0x40, s23  }
0x145: {  	s22 =	sadd.s32 $0x1, s22  }
0x146: {  	p0 =	sne.s32 s22, s9  }
.Ltmp3:
0x147: {  	_ = 	snop;
	(pc) =	sbr.rel @p0 .LBB2_1-.Ltmp3, $4  }
0x148: {  	[hbm4b:s8+s4] =	stream.linear.scatter [tilespmem:s20], [sflag:$0xD], $0x200, $0x38;
	[tilespmem:$0x18C00] =	vst v63  }
0x149: {  	_ =	swait.ge [sflag:s21], $0x200  }
0x14a: {  	[sflag:s21] =	ssyncset.done $0x0  }
0x14b: {  	[sflag:s21] =	ssyncadd.s32 $0xFFFFFE00  }
0x14c: {  	_ =	sfence.sel $0x180000  }
0x14d: {  	[bflag:$0x0] =	sbarrier.arrive $0xFFFF  }
0x14e: {  	_ =	strace $0x90000047  }
0x14f: {  	s0 =	stileid.u32;
	[bflag:$0x2] =	sbarrier.arrive $0xFFFF  }
0x150: {  	p0 =	sne.s32 s0, $0x0;
	s0 =	rddreg [dreg:$0x6]  }
0x151: {  	s0 =	sadd.s32 @!p0 $0x100000, s0  }
0x152: {  	[sflag:s0] =	ssyncadd.tile.s32 @!p0 $0x1;
	_ =	shalt  }
.Lfunc_end2:
_tile_overlayer_lowered:
.L_overlay_start_2:
0x153: {  	(tag) =	ssettag $0x2  }
0x154: {  	s0 =	rddreg [dreg:$0x0];
	s2 =	stileid.u32  }
0x155: {  	s1 =	rddreg [dreg:$0x1];
	p0 =	sne.s32 s2, $0x0  }
0x156: {  	s3 =	rddreg [dreg:$0x2];
	[bflag:$0x3] =	sbarrier.arrive $0xFFFF;
	s2 =	simm.s32 @!p0 $0x1C0D  }
0x157: {  	[timem:s3], [sflag:s2] =	dma.local @!p0 [hbm:s0], s1  }
0x158: {  	s0 =	simm.s32 @!p0 $0xD  }
0x159: {  	_ =	swait.ge @!p0 [sflag:s0], s1  }
0x15a: {  	s1 =	ssub.s32 @!p0 $0x0, s1;
	[sflag:s0] =	ssyncset.done @!p0 $0x0  }
0x15b: {  	[sflag:s0] =	ssyncadd.s32 @!p0 s1  }
0x15c: {  	[bflag:$0x3] =	sbarrier.arrive $0xFFFF  }
0x15d: {  	_ =	shalt  }

</sc_bundles>
